<compile_context>
chip_gen: v7x
topology: tpu7x:2x2x1
jax: 0.10.2.dev20260603
libtpu: 0.0.44.dev20260713+nightly
codegen_flags: <defaults>
</compile_context>

<pallas_src>
import functools

import jax
import jax.numpy as jnp
from jax import lax
from jax.experimental import pallas as pl
from jax.experimental.pallas import tpu as pltpu
from jax.experimental.pallas import tpu_sc as plsc

N = 100000
K = 128
CH = 160
CHK = CH * K
NCH = N // CH
NW = 32
GROUPS = CH // 16
NB = 2
MAXC = -(-NCH // NW)

_mesh = plsc.VectorSubcoreMesh(core_axis_name="c", subcore_axis_name="s")


@functools.partial(
    pl.kernel,
    mesh=_mesh,
    out_type=jax.ShapeDtypeStruct((N * K,), jnp.float32),
    scratch_types=(
        [pltpu.VMEM((CHK,), jnp.float32) for _ in range(NB)]
        + [pltpu.VMEM((CH,), jnp.int32) for _ in range(2 * NB)]
        + [pltpu.SemaphoreType.DMA for _ in range(2 * NB)]
    ),
    compiler_params=pltpu.CompilerParams(needs_layout_passes=False),
)
def _one_hot_sc(atom_hbm, out_hbm, *scratch):
    bufs = scratch[:NB]
    idxs = scratch[NB:2 * NB]
    fis = scratch[2 * NB:3 * NB]
    outsems = scratch[3 * NB:4 * NB]
    idxsems = scratch[4 * NB:5 * NB]

    info = plsc.get_sparse_core_info()
    wid = lax.axis_index("s") * info.num_cores + lax.axis_index("c")

    zvec = jnp.zeros((16,), jnp.float32)
    ovec = jnp.ones((16,), jnp.float32)
    row_off = lax.iota(jnp.int32, 16) * K

    n_mine = (NCH - wid + NW - 1) // NW

    def _prefetch_idx(ci, b):
        chunk = wid + ci * NW
        pltpu.async_copy(atom_hbm.at[pl.ds(chunk * CH, CH)],
                         idxs[b], idxsems[b])

    def _fill(b):
        buf, idx_v, fi = bufs[b], idxs[b], fis[b]

        def body(g, carry):
            base = row_off + g * (16 * K)
            flat = base + idx_v[pl.ds(g * 16, 16)]
            fi[pl.ds(g * 16, 16)] = flat
            plsc.store_scatter(buf, [flat], ovec)
            return carry

        lax.fori_loop(0, GROUPS, body, 0, unroll=GROUPS)

    def _clear(b):
        buf, fi = bufs[b], fis[b]

        def body(g, carry):
            plsc.store_scatter(buf, [fi[pl.ds(g * 16, 16)]], zvec)
            return carry

        lax.fori_loop(0, GROUPS, body, 0, unroll=GROUPS)

    for b in range(NB):
        _prefetch_idx(b, b)

    for b in range(NB):
        buf = bufs[b]

        def _zero_body(i, carry):
            buf[pl.ds(i * 16, 16)] = zvec
            return carry

        lax.fori_loop(0, CHK // 16, _zero_body, 0, unroll=16)
        pltpu.make_async_copy(atom_hbm.at[pl.ds(0, CH)], idxs[b],
                              idxsems[b]).wait()
        _fill(b)
        chunk = wid + b * NW
        pltpu.async_copy(bufs[b], out_hbm.at[pl.ds(chunk * CHK, CHK)],
                         outsems[b])
        _prefetch_idx(b + NB, b)

    def _group_body(i2, carry):
        for b in range(NB):
            ci = NB * i2 + b

            @pl.when(ci < n_mine)
            def _():
                pltpu.make_async_copy(bufs[b], out_hbm.at[pl.ds(0, CHK)],
                                      outsems[b]).wait()
                _clear(b)
                pltpu.make_async_copy(atom_hbm.at[pl.ds(0, CH)], idxs[b],
                                      idxsems[b]).wait()
                _fill(b)
                chunk = wid + ci * NW
                pltpu.async_copy(bufs[b],
                                 out_hbm.at[pl.ds(chunk * CHK, CHK)],
                                 outsems[b])

                @pl.when(ci + NB < n_mine)
                def _():
                    _prefetch_idx(ci + NB, b)
        return carry

    lax.fori_loop(1, (MAXC + NB - 1) // NB, _group_body, 0)

    for b in range(NB):
        pltpu.make_async_copy(bufs[b], out_hbm.at[pl.ds(0, CHK)],
                              outsems[b]).wait()


def kernel(atom_type, pos):
    del pos
    out = _one_hot_sc(atom_type.astype(jnp.int32))
    return out.reshape(N, K)

# --- scband reference (transcript-rebuilt; emitter-appended) ---
"""Pipeline reference for scband-one-hot-atom-encoding-49976239456300 (READ-ONLY COPY).

The authoritative reference and input builder live on the scoring server;
editing this copy changes nothing except your own understanding.
"""

import jax, jax.numpy as jnp
import numpy as np

NUM_TYPES = 128
N_NODES = 100000

def setup_inputs(seed: int = 0) -> dict:
    key = jax.random.key(seed)
    k1, k2 = jax.random.split(key)
    atom_type = jax.random.randint(k1, (N_NODES,), 0, NUM_TYPES, dtype=jnp.int64 if jax.config.jax_enable_x64 else jnp.int32).astype(jnp.int32)
    pos = jax.random.normal(k2, (N_NODES, 3), dtype=jnp.float32)
    return {"atom_type": atom_type, "pos": pos}

def reference(atom_type, pos):
    # Faithful translation of OneHotAtomEncoding.forward:
    #   type_numbers = atom_type.squeeze(-1)  (already 1-D here)
    #   one_hot = F.one_hot(type_numbers, num_classes=num_types).to(dtype=pos.dtype)
    type_numbers = jnp.squeeze(atom_type) if atom_type.ndim > 1 else atom_type
    one_hot = jax.nn.one_hot(type_numbers, NUM_TYPES, dtype=pos.dtype)
    # module sets batch.node_features = one_hot and returns the batch;
    # the new tensor produced is the one-hot encoding
    return one_hot

if __name__ == "__main__":
    import jax
    _d = setup_inputs()
    print(jax.jit(kernel)(*tuple(_d.values())))

</pallas_src>

<mosaic_0001>
#map = affine_map<(d0, d1) -> (0)>
module attributes {stable_mosaic.version = 14 : i64} {
  func.func @_one_hot_sc(%arg0: i32, %arg1: i32, %arg2: memref<100000xi32, #tpu.memory_space<hbm>>, %arg3: memref<12800000xf32, #tpu.memory_space<hbm>>, %arg4: memref<20480xf32, #tpu.memory_space<vmem>>, %arg5: memref<20480xf32, #tpu.memory_space<vmem>>, %arg6: memref<160xi32, #tpu.memory_space<vmem>>, %arg7: memref<160xi32, #tpu.memory_space<vmem>>, %arg8: memref<160xi32, #tpu.memory_space<vmem>>, %arg9: memref<160xi32, #tpu.memory_space<vmem>>, %arg10: memref<!tpu.dma_semaphore, #tpu.memory_space<semaphore_mem>>, %arg11: memref<!tpu.dma_semaphore, #tpu.memory_space<semaphore_mem>>, %arg12: memref<!tpu.dma_semaphore, #tpu.memory_space<semaphore_mem>>, %arg13: memref<!tpu.dma_semaphore, #tpu.memory_space<semaphore_mem>>) attributes {dimension_semantics = [#tpu.dimension_semantics<core_parallel>, #tpu.dimension_semantics<subcore_parallel>], iteration_bounds = array<i64: 2, 16>, scalar_prefetch = 0 : i64, scratch_operands = 10 : i64, tpu.core_type = #tpu.core_type<sc_vector_subcore>, window_params = [{transform_indices = #map}, {transform_indices = #map}]} {
    %mul3A = arith.constant 2 : i32
    %mul3A_0 = arith.muli %arg1, %mul3A : i32
    %add3A = arith.addi %mul3A_0, %arg0 : i32
    %broadcast_in_dim3A = arith.constant 0.000000e+00 : f32
    %broadcast_in_dim3A_1 = vector.broadcast %broadcast_in_dim3A : f32 to vector<16xf32>
    %broadcast_in_dim3A_2 = arith.constant 1.000000e+00 : f32
    %broadcast_in_dim3A_3 = vector.broadcast %broadcast_in_dim3A_2 : f32 to vector<16xf32>
    %iota3A = tpu.iota {dimensions = array<i32: 0>} : vector<16xi32>
    %mul3A_4 = arith.constant 128 : i32
    %mul3A_5 = vector.broadcast %mul3A_4 : i32 to vector<16xi32>
    %mul3A_6 = arith.muli %iota3A, %mul3A_5 : vector<16xi32>
    %sub3A = arith.constant 625 : i32
    %sub3A_7 = arith.subi %sub3A, %add3A : i32
    %add3A_8 = arith.constant 32 : i32
    %add3A_9 = arith.addi %sub3A_7, %add3A_8 : i32
    %sub3A_10 = arith.constant 1 : i32
    %sub3A_11 = arith.subi %add3A_9, %sub3A_10 : i32
    %jit3A = arith.constant 32 : i32
    %div3A = arith.divsi %sub3A_11, %jit3A : i32
    %sign3A = arith.constant 0 : i32
    %sign3A_12 = arith.cmpi sgt, %sub3A_11, %sign3A : i32
    %sign3A_13 = arith.extui %sign3A_12 : i1 to i32
    %sign3A_14 = arith.constant 0 : i32
    %sign3A_15 = arith.cmpi slt, %sub3A_11, %sign3A_14 : i32
    %sign3A_16 = arith.extui %sign3A_15 : i1 to i32
    %sign3A_17 = arith.subi %sign3A_13, %sign3A_16 : i32
    %sign3A_18 = arith.constant 0 : i32
    %sign3A_19 = arith.cmpi sgt, %jit3A, %sign3A_18 : i32
    %sign3A_20 = arith.extui %sign3A_19 : i1 to i32
    %sign3A_21 = arith.constant 0 : i32
    %sign3A_22 = arith.cmpi slt, %jit3A, %sign3A_21 : i32
    %sign3A_23 = arith.extui %sign3A_22 : i1 to i32
    %sign3A_24 = arith.subi %sign3A_20, %sign3A_23 : i32
    %ne3A = arith.cmpi ne, %sign3A_17, %sign3A_24 : i32
    %rem3A = arith.remsi %sub3A_11, %jit3A : i32
    %ne3A_25 = arith.constant 0 : i32
    %ne3A_26 = arith.cmpi ne, %rem3A, %ne3A_25 : i32
    %and3A = arith.andi %ne3A, %ne3A_26 : i1
    %sub3A_27 = arith.constant 1 : i32
    %sub3A_28 = arith.subi %div3A, %sub3A_27 : i32
    %select_n3A = arith.select %and3A, %sub3A_28, %div3A : i32
    %add3A_29 = arith.constant 0 : i32
    %add3A_30 = arith.addi %add3A, %add3A_29 : i32
    %mul3A_31 = arith.constant 160 : i32
    %mul3A_32 = arith.muli %add3A_30, %mul3A_31 : i32
    %dma_start3A = tpu.memref_slice %arg2[%mul3A_32] : memref<100000xi32, #tpu.memory_space<hbm>> -> memref<160xi32, #tpu.memory_space<hbm>>
    %dma_start3A_33 = tpu.memref_slice %arg2[%mul3A_32] : memref<100000xi32, #tpu.memory_space<hbm>> -> memref<160xi32, #tpu.memory_space<hbm>>
    tpu.enqueue_dma source(%dma_start3A_33 : memref<160xi32, #tpu.memory_space<hbm>>) target(%arg6 : memref<160xi32, #tpu.memory_space<vmem>>) target_semaphore(%arg12 : memref<!tpu.dma_semaphore, #tpu.memory_space<semaphore_mem>>)
    %add3A_34 = arith.constant 32 : i32
    %add3A_35 = arith.addi %add3A, %add3A_34 : i32
    %mul3A_36 = arith.constant 160 : i32
    %mul3A_37 = arith.muli %add3A_35, %mul3A_36 : i32
    %dma_start3A_38 = tpu.memref_slice %arg2[%mul3A_37] : memref<100000xi32, #tpu.memory_space<hbm>> -> memref<160xi32, #tpu.memory_space<hbm>>
    %dma_start3A_39 = tpu.memref_slice %arg2[%mul3A_37] : memref<100000xi32, #tpu.memory_space<hbm>> -> memref<160xi32, #tpu.memory_space<hbm>>
    tpu.enqueue_dma source(%dma_start3A_39 : memref<160xi32, #tpu.memory_space<hbm>>) target(%arg7 : memref<160xi32, #tpu.memory_space<vmem>>) target_semaphore(%arg13 : memref<!tpu.dma_semaphore, #tpu.memory_space<semaphore_mem>>)
    %scan3A = arith.constant 0 : i32
    %scan3A_40 = arith.constant 0 : i32
    %scan3A_41 = arith.constant 1280 : i32
    %scan3A_42 = arith.addi %scan3A_40, %scan3A_41 : i32
    %scan3A_43 = arith.constant 16 : i32
    scf.for %scan3A_378 = %scan3A_40 to %scan3A_42 step %scan3A_43  : i32 {
      %mul3A_379 = arith.constant 16 : i32
      %mul3A_380 = arith.muli %scan3A_378, %mul3A_379 : i32
      %swap3A_381 = arith.index_cast %mul3A_380 : i32 to index
      %swap3A_382 = tpu.vector_load %arg4[%swap3A_381] {strides = array<i32>} : memref<20480xf32, #tpu.memory_space<vmem>>, vector<16xf32>,
      tpu.vector_store %arg4[%swap3A_381], %broadcast_in_dim3A_1 {strides = array<i32>} : memref<20480xf32, #tpu.memory_space<vmem>>, vector<16xf32>,
      %scan3A_383 = arith.constant 1 : i32
      %scan3A_384 = arith.addi %scan3A_378, %scan3A_383 : i32
      %mul3A_385 = arith.constant 16 : i32
      %mul3A_386 = arith.muli %scan3A_384, %mul3A_385 : i32
      %swap3A_387 = arith.index_cast %mul3A_386 : i32 to index
      %swap3A_388 = tpu.vector_load %arg4[%swap3A_387] {strides = array<i32>} : memref<20480xf32, #tpu.memory_space<vmem>>, vector<16xf32>,
      tpu.vector_store %arg4[%swap3A_387], %broadcast_in_dim3A_1 {strides = array<i32>} : memref<20480xf32, #tpu.memory_space<vmem>>, vector<16xf32>,
      %scan3A_389 = arith.constant 2 : i32
      %scan3A_390 = arith.addi %scan3A_378, %scan3A_389 : i32
      %mul3A_391 = arith.constant 16 : i32
      %mul3A_392 = arith.muli %scan3A_390, %mul3A_391 : i32
      %swap3A_393 = arith.index_cast %mul3A_392 : i32 to index
      %swap3A_394 = tpu.vector_load %arg4[%swap3A_393] {strides = array<i32>} : memref<20480xf32, #tpu.memory_space<vmem>>, vector<16xf32>,
      tpu.vector_store %arg4[%swap3A_393], %broadcast_in_dim3A_1 {strides = array<i32>} : memref<20480xf32, #tpu.memory_space<vmem>>, vector<16xf32>,
      %scan3A_395 = arith.constant 3 : i32
      %scan3A_396 = arith.addi %scan3A_378, %scan3A_395 : i32
      %mul3A_397 = arith.constant 16 : i32
      %mul3A_398 = arith.muli %scan3A_396, %mul3A_397 : i32
      %swap3A_399 = arith.index_cast %mul3A_398 : i32 to index
      %swap3A_400 = tpu.vector_load %arg4[%swap3A_399] {strides = array<i32>} : memref<20480xf32, #tpu.memory_space<vmem>>, vector<16xf32>,
      tpu.vector_store %arg4[%swap3A_399], %broadcast_in_dim3A_1 {strides = array<i32>} : memref<20480xf32, #tpu.memory_space<vmem>>, vector<16xf32>,
      %scan3A_401 = arith.constant 4 : i32
      %scan3A_402 = arith.addi %scan3A_378, %scan3A_401 : i32
      %mul3A_403 = arith.constant 16 : i32
      %mul3A_404 = arith.muli %scan3A_402, %mul3A_403 : i32
      %swap3A_405 = arith.index_cast %mul3A_404 : i32 to index
      %swap3A_406 = tpu.vector_load %arg4[%swap3A_405] {strides = array<i32>} : memref<20480xf32, #tpu.memory_space<vmem>>, vector<16xf32>,
      tpu.vector_store %arg4[%swap3A_405], %broadcast_in_dim3A_1 {strides = array<i32>} : memref<20480xf32, #tpu.memory_space<vmem>>, vector<16xf32>,
      %scan3A_407 = arith.constant 5 : i32
      %scan3A_408 = arith.addi %scan3A_378, %scan3A_407 : i32
      %mul3A_409 = arith.constant 16 : i32
      %mul3A_410 = arith.muli %scan3A_408, %mul3A_409 : i32
      %swap3A_411 = arith.index_cast %mul3A_410 : i32 to index
      %swap3A_412 = tpu.vector_load %arg4[%swap3A_411] {strides = array<i32>} : memref<20480xf32, #tpu.memory_space<vmem>>, vector<16xf32>,
      tpu.vector_store %arg4[%swap3A_411], %broadcast_in_dim3A_1 {strides = array<i32>} : memref<20480xf32, #tpu.memory_space<vmem>>, vector<16xf32>,
      %scan3A_413 = arith.constant 6 : i32
      %scan3A_414 = arith.addi %scan3A_378, %scan3A_413 : i32
      %mul3A_415 = arith.constant 16 : i32
      %mul3A_416 = arith.muli %scan3A_414, %mul3A_415 : i32
      %swap3A_417 = arith.index_cast %mul3A_416 : i32 to index
      %swap3A_418 = tpu.vector_load %arg4[%swap3A_417] {strides = array<i32>} : memref<20480xf32, #tpu.memory_space<vmem>>, vector<16xf32>,
      tpu.vector_store %arg4[%swap3A_417], %broadcast_in_dim3A_1 {strides = array<i32>} : memref<20480xf32, #tpu.memory_space<vmem>>, vector<16xf32>,
      %scan3A_419 = arith.constant 7 : i32
      %scan3A_420 = arith.addi %scan3A_378, %scan3A_419 : i32
      %mul3A_421 = arith.constant 16 : i32
      %mul3A_422 = arith.muli %scan3A_420, %mul3A_421 : i32
      %swap3A_423 = arith.index_cast %mul3A_422 : i32 to index
      %swap3A_424 = tpu.vector_load %arg4[%swap3A_423] {strides = array<i32>} : memref<20480xf32, #tpu.memory_space<vmem>>, vector<16xf32>,
      tpu.vector_store %arg4[%swap3A_423], %broadcast_in_dim3A_1 {strides = array<i32>} : memref<20480xf32, #tpu.memory_space<vmem>>, vector<16xf32>,
      %scan3A_425 = arith.constant 8 : i32
      %scan3A_426 = arith.addi %scan3A_378, %scan3A_425 : i32
      %mul3A_427 = arith.constant 16 : i32
      %mul3A_428 = arith.muli %scan3A_426, %mul3A_427 : i32
      %swap3A_429 = arith.index_cast %mul3A_428 : i32 to index
      %swap3A_430 = tpu.vector_load %arg4[%swap3A_429] {strides = array<i32>} : memref<20480xf32, #tpu.memory_space<vmem>>, vector<16xf32>,
      tpu.vector_store %arg4[%swap3A_429], %broadcast_in_dim3A_1 {strides = array<i32>} : memref<20480xf32, #tpu.memory_space<vmem>>, vector<16xf32>,
      %scan3A_431 = arith.constant 9 : i32
      %scan3A_432 = arith.addi %scan3A_378, %scan3A_431 : i32
      %mul3A_433 = arith.constant 16 : i32
      %mul3A_434 = arith.muli %scan3A_432, %mul3A_433 : i32
      %swap3A_435 = arith.index_cast %mul3A_434 : i32 to index
      %swap3A_436 = tpu.vector_load %arg4[%swap3A_435] {strides = array<i32>} : memref<20480xf32, #tpu.memory_space<vmem>>, vector<16xf32>,
      tpu.vector_store %arg4[%swap3A_435], %broadcast_in_dim3A_1 {strides = array<i32>} : memref<20480xf32, #tpu.memory_space<vmem>>, vector<16xf32>,
      %scan3A_437 = arith.constant 10 : i32
      %scan3A_438 = arith.addi %scan3A_378, %scan3A_437 : i32
      %mul3A_439 = arith.constant 16 : i32
      %mul3A_440 = arith.muli %scan3A_438, %mul3A_439 : i32
      %swap3A_441 = arith.index_cast %mul3A_440 : i32 to index
      %swap3A_442 = tpu.vector_load %arg4[%swap3A_441] {strides = array<i32>} : memref<20480xf32, #tpu.memory_space<vmem>>, vector<16xf32>,
      tpu.vector_store %arg4[%swap3A_441], %broadcast_in_dim3A_1 {strides = array<i32>} : memref<20480xf32, #tpu.memory_space<vmem>>, vector<16xf32>,
      %scan3A_443 = arith.constant 11 : i32
      %scan3A_444 = arith.addi %scan3A_378, %scan3A_443 : i32
      %mul3A_445 = arith.constant 16 : i32
      %mul3A_446 = arith.muli %scan3A_444, %mul3A_445 : i32
      %swap3A_447 = arith.index_cast %mul3A_446 : i32 to index
      %swap3A_448 = tpu.vector_load %arg4[%swap3A_447] {strides = array<i32>} : memref<20480xf32, #tpu.memory_space<vmem>>, vector<16xf32>,
      tpu.vector_store %arg4[%swap3A_447], %broadcast_in_dim3A_1 {strides = array<i32>} : memref<20480xf32, #tpu.memory_space<vmem>>, vector<16xf32>,
      %scan3A_449 = arith.constant 12 : i32
      %scan3A_450 = arith.addi %scan3A_378, %scan3A_449 : i32
      %mul3A_451 = arith.constant 16 : i32
      %mul3A_452 = arith.muli %scan3A_450, %mul3A_451 : i32
      %swap3A_453 = arith.index_cast %mul3A_452 : i32 to index
      %swap3A_454 = tpu.vector_load %arg4[%swap3A_453] {strides = array<i32>} : memref<20480xf32, #tpu.memory_space<vmem>>, vector<16xf32>,
      tpu.vector_store %arg4[%swap3A_453], %broadcast_in_dim3A_1 {strides = array<i32>} : memref<20480xf32, #tpu.memory_space<vmem>>, vector<16xf32>,
      %scan3A_455 = arith.constant 13 : i32
      %scan3A_456 = arith.addi %scan3A_378, %scan3A_455 : i32
      %mul3A_457 = arith.constant 16 : i32
      %mul3A_458 = arith.muli %scan3A_456, %mul3A_457 : i32
      %swap3A_459 = arith.index_cast %mul3A_458 : i32 to index
      %swap3A_460 = tpu.vector_load %arg4[%swap3A_459] {strides = array<i32>} : memref<20480xf32, #tpu.memory_space<vmem>>, vector<16xf32>,
      tpu.vector_store %arg4[%swap3A_459], %broadcast_in_dim3A_1 {strides = array<i32>} : memref<20480xf32, #tpu.memory_space<vmem>>, vector<16xf32>,
      %scan3A_461 = arith.constant 14 : i32
      %scan3A_462 = arith.addi %scan3A_378, %scan3A_461 : i32
      %mul3A_463 = arith.constant 16 : i32
      %mul3A_464 = arith.muli %scan3A_462, %mul3A_463 : i32
      %swap3A_465 = arith.index_cast %mul3A_464 : i32 to index
      %swap3A_466 = tpu.vector_load %arg4[%swap3A_465] {strides = array<i32>} : memref<20480xf32, #tpu.memory_space<vmem>>, vector<16xf32>,
      tpu.vector_store %arg4[%swap3A_465], %broadcast_in_dim3A_1 {strides = array<i32>} : memref<20480xf32, #tpu.memory_space<vmem>>, vector<16xf32>,
      %scan3A_467 = arith.constant 15 : i32
      %scan3A_468 = arith.addi %scan3A_378, %scan3A_467 : i32
      %mul3A_469 = arith.constant 16 : i32
      %mul3A_470 = arith.muli %scan3A_468, %mul3A_469 : i32
      %swap3A_471 = arith.index_cast %mul3A_470 : i32 to index
      %swap3A_472 = tpu.vector_load %arg4[%swap3A_471] {strides = array<i32>} : memref<20480xf32, #tpu.memory_space<vmem>>, vector<16xf32>,
      tpu.vector_store %arg4[%swap3A_471], %broadcast_in_dim3A_1 {strides = array<i32>} : memref<20480xf32, #tpu.memory_space<vmem>>, vector<16xf32>,
    }
    %scan3A_44 = arith.constant 1280 : i32
    %dma_wait3A = arith.constant 0 : i32
    %dma_wait3A_45 = tpu.memref_slice %arg2[%dma_wait3A] : memref<100000xi32, #tpu.memory_space<hbm>> -> memref<160xi32, #tpu.memory_space<hbm>>
    %dma_wait3A_46 = arith.constant 0 : i32
    %dma_wait3A_47 = tpu.memref_slice %arg2[%dma_wait3A_46] : memref<100000xi32, #tpu.memory_space<hbm>> -> memref<160xi32, #tpu.memory_space<hbm>>
    tpu.wait_dma2 semaphore(%arg12 : memref<!tpu.dma_semaphore, #tpu.memory_space<semaphore_mem>>) src(%dma_wait3A_47 : memref<160xi32, #tpu.memory_space<hbm>>) dst(%arg6 : memref<160xi32, #tpu.memory_space<vmem>>)
    %scan3A_48 = arith.constant 0 : i32
    %scan3A_49 = arith.constant 0 : i32
    %mul3A_50 = arith.constant 2048 : i32
    %mul3A_51 = arith.muli %scan3A_49, %mul3A_50 : i32
    %add3A_52 = vector.broadcast %mul3A_51 : i32 to vector<16xi32>
    %add3A_53 = arith.addi %mul3A_6, %add3A_52 : vector<16xi32>
    %mul3A_54 = arith.constant 16 : i32
    %mul3A_55 = arith.muli %scan3A_49, %mul3A_54 : i32
    %get3A = arith.index_cast %mul3A_55 : i32 to index
    %get3A_56 = tpu.vector_load %arg6[%get3A] {strides = array<i32>} : memref<160xi32, #tpu.memory_space<vmem>>, vector<16xi32>,
    %add3A_57 = arith.addi %add3A_53, %get3A_56 : vector<16xi32>
    %mul3A_58 = arith.constant 16 : i32
    %mul3A_59 = arith.muli %scan3A_49, %mul3A_58 : i32
    %swap3A = arith.index_cast %mul3A_59 : i32 to index
    %swap3A_60 = tpu.vector_load %arg8[%swap3A] {strides = array<i32>} : memref<160xi32, #tpu.memory_space<vmem>>, vector<16xi32>,
    tpu.vector_store %arg8[%swap3A], %add3A_57 {strides = array<i32>} : memref<160xi32, #tpu.memory_space<vmem>>, vector<16xi32>,
    tpu.vector_store_idx %arg4[%add3A_57], %broadcast_in_dim3A_3 : memref<20480xf32, #tpu.memory_space<vmem>>[vector<16xi32>], vector<16xf32>,
    %scan3A_61 = arith.constant 1 : i32
    %mul3A_62 = arith.constant 2048 : i32
    %mul3A_63 = arith.muli %scan3A_61, %mul3A_62 : i32
    %add3A_64 = vector.broadcast %mul3A_63 : i32 to vector<16xi32>
    %add3A_65 = arith.addi %mul3A_6, %add3A_64 : vector<16xi32>
    %mul3A_66 = arith.constant 16 : i32
    %mul3A_67 = arith.muli %scan3A_61, %mul3A_66 : i32
    %get3A_68 = arith.index_cast %mul3A_67 : i32 to index
    %get3A_69 = tpu.vector_load %arg6[%get3A_68] {strides = array<i32>} : memref<160xi32, #tpu.memory_space<vmem>>, vector<16xi32>,
    %add3A_70 = arith.addi %add3A_65, %get3A_69 : vector<16xi32>
    %mul3A_71 = arith.constant 16 : i32
    %mul3A_72 = arith.muli %scan3A_61, %mul3A_71 : i32
    %swap3A_73 = arith.index_cast %mul3A_72 : i32 to index
    %swap3A_74 = tpu.vector_load %arg8[%swap3A_73] {strides = array<i32>} : memref<160xi32, #tpu.memory_space<vmem>>, vector<16xi32>,
    tpu.vector_store %arg8[%swap3A_73], %add3A_70 {strides = array<i32>} : memref<160xi32, #tpu.memory_space<vmem>>, vector<16xi32>,
    tpu.vector_store_idx %arg4[%add3A_70], %broadcast_in_dim3A_3 : memref<20480xf32, #tpu.memory_space<vmem>>[vector<16xi32>], vector<16xf32>,
    %scan3A_75 = arith.constant 2 : i32
    %mul3A_76 = arith.constant 2048 : i32
    %mul3A_77 = arith.muli %scan3A_75, %mul3A_76 : i32
    %add3A_78 = vector.broadcast %mul3A_77 : i32 to vector<16xi32>
    %add3A_79 = arith.addi %mul3A_6, %add3A_78 : vector<16xi32>
    %mul3A_80 = arith.constant 16 : i32
    %mul3A_81 = arith.muli %scan3A_75, %mul3A_80 : i32
    %get3A_82 = arith.index_cast %mul3A_81 : i32 to index
    %get3A_83 = tpu.vector_load %arg6[%get3A_82] {strides = array<i32>} : memref<160xi32, #tpu.memory_space<vmem>>, vector<16xi32>,
    %add3A_84 = arith.addi %add3A_79, %get3A_83 : vector<16xi32>
    %mul3A_85 = arith.constant 16 : i32
    %mul3A_86 = arith.muli %scan3A_75, %mul3A_85 : i32
    %swap3A_87 = arith.index_cast %mul3A_86 : i32 to index
    %swap3A_88 = tpu.vector_load %arg8[%swap3A_87] {strides = array<i32>} : memref<160xi32, #tpu.memory_space<vmem>>, vector<16xi32>,
    tpu.vector_store %arg8[%swap3A_87], %add3A_84 {strides = array<i32>} : memref<160xi32, #tpu.memory_space<vmem>>, vector<16xi32>,
    tpu.vector_store_idx %arg4[%add3A_84], %broadcast_in_dim3A_3 : memref<20480xf32, #tpu.memory_space<vmem>>[vector<16xi32>], vector<16xf32>,
    %scan3A_89 = arith.constant 3 : i32
    %mul3A_90 = arith.constant 2048 : i32
    %mul3A_91 = arith.muli %scan3A_89, %mul3A_90 : i32
    %add3A_92 = vector.broadcast %mul3A_91 : i32 to vector<16xi32>
    %add3A_93 = arith.addi %mul3A_6, %add3A_92 : vector<16xi32>
    %mul3A_94 = arith.constant 16 : i32
    %mul3A_95 = arith.muli %scan3A_89, %mul3A_94 : i32
    %get3A_96 = arith.index_cast %mul3A_95 : i32 to index
    %get3A_97 = tpu.vector_load %arg6[%get3A_96] {strides = array<i32>} : memref<160xi32, #tpu.memory_space<vmem>>, vector<16xi32>,
    %add3A_98 = arith.addi %add3A_93, %get3A_97 : vector<16xi32>
    %mul3A_99 = arith.constant 16 : i32
    %mul3A_100 = arith.muli %scan3A_89, %mul3A_99 : i32
    %swap3A_101 = arith.index_cast %mul3A_100 : i32 to index
    %swap3A_102 = tpu.vector_load %arg8[%swap3A_101] {strides = array<i32>} : memref<160xi32, #tpu.memory_space<vmem>>, vector<16xi32>,
    tpu.vector_store %arg8[%swap3A_101], %add3A_98 {strides = array<i32>} : memref<160xi32, #tpu.memory_space<vmem>>, vector<16xi32>,
    tpu.vector_store_idx %arg4[%add3A_98], %broadcast_in_dim3A_3 : memref<20480xf32, #tpu.memory_space<vmem>>[vector<16xi32>], vector<16xf32>,
    %scan3A_103 = arith.constant 4 : i32
    %mul3A_104 = arith.constant 2048 : i32
    %mul3A_105 = arith.muli %scan3A_103, %mul3A_104 : i32
    %add3A_106 = vector.broadcast %mul3A_105 : i32 to vector<16xi32>
    %add3A_107 = arith.addi %mul3A_6, %add3A_106 : vector<16xi32>
    %mul3A_108 = arith.constant 16 : i32
    %mul3A_109 = arith.muli %scan3A_103, %mul3A_108 : i32
    %get3A_110 = arith.index_cast %mul3A_109 : i32 to index
    %get3A_111 = tpu.vector_load %arg6[%get3A_110] {strides = array<i32>} : memref<160xi32, #tpu.memory_space<vmem>>, vector<16xi32>,
    %add3A_112 = arith.addi %add3A_107, %get3A_111 : vector<16xi32>
    %mul3A_113 = arith.constant 16 : i32
    %mul3A_114 = arith.muli %scan3A_103, %mul3A_113 : i32
    %swap3A_115 = arith.index_cast %mul3A_114 : i32 to index
    %swap3A_116 = tpu.vector_load %arg8[%swap3A_115] {strides = array<i32>} : memref<160xi32, #tpu.memory_space<vmem>>, vector<16xi32>,
    tpu.vector_store %arg8[%swap3A_115], %add3A_112 {strides = array<i32>} : memref<160xi32, #tpu.memory_space<vmem>>, vector<16xi32>,
    tpu.vector_store_idx %arg4[%add3A_112], %broadcast_in_dim3A_3 : memref<20480xf32, #tpu.memory_space<vmem>>[vector<16xi32>], vector<16xf32>,
    %scan3A_117 = arith.constant 5 : i32
    %mul3A_118 = arith.constant 2048 : i32
    %mul3A_119 = arith.muli %scan3A_117, %mul3A_118 : i32
    %add3A_120 = vector.broadcast %mul3A_119 : i32 to vector<16xi32>
    %add3A_121 = arith.addi %mul3A_6, %add3A_120 : vector<16xi32>
    %mul3A_122 = arith.constant 16 : i32
    %mul3A_123 = arith.muli %scan3A_117, %mul3A_122 : i32
    %get3A_124 = arith.index_cast %mul3A_123 : i32 to index
    %get3A_125 = tpu.vector_load %arg6[%get3A_124] {strides = array<i32>} : memref<160xi32, #tpu.memory_space<vmem>>, vector<16xi32>,
    %add3A_126 = arith.addi %add3A_121, %get3A_125 : vector<16xi32>
    %mul3A_127 = arith.constant 16 : i32
    %mul3A_128 = arith.muli %scan3A_117, %mul3A_127 : i32
    %swap3A_129 = arith.index_cast %mul3A_128 : i32 to index
    %swap3A_130 = tpu.vector_load %arg8[%swap3A_129] {strides = array<i32>} : memref<160xi32, #tpu.memory_space<vmem>>, vector<16xi32>,
    tpu.vector_store %arg8[%swap3A_129], %add3A_126 {strides = array<i32>} : memref<160xi32, #tpu.memory_space<vmem>>, vector<16xi32>,
    tpu.vector_store_idx %arg4[%add3A_126], %broadcast_in_dim3A_3 : memref<20480xf32, #tpu.memory_space<vmem>>[vector<16xi32>], vector<16xf32>,
    %scan3A_131 = arith.constant 6 : i32
    %mul3A_132 = arith.constant 2048 : i32
    %mul3A_133 = arith.muli %scan3A_131, %mul3A_132 : i32
    %add3A_134 = vector.broadcast %mul3A_133 : i32 to vector<16xi32>
    %add3A_135 = arith.addi %mul3A_6, %add3A_134 : vector<16xi32>
    %mul3A_136 = arith.constant 16 : i32
    %mul3A_137 = arith.muli %scan3A_131, %mul3A_136 : i32
    %get3A_138 = arith.index_cast %mul3A_137 : i32 to index
    %get3A_139 = tpu.vector_load %arg6[%get3A_138] {strides = array<i32>} : memref<160xi32, #tpu.memory_space<vmem>>, vector<16xi32>,
    %add3A_140 = arith.addi %add3A_135, %get3A_139 : vector<16xi32>
    %mul3A_141 = arith.constant 16 : i32
    %mul3A_142 = arith.muli %scan3A_131, %mul3A_141 : i32
    %swap3A_143 = arith.index_cast %mul3A_142 : i32 to index
    %swap3A_144 = tpu.vector_load %arg8[%swap3A_143] {strides = array<i32>} : memref<160xi32, #tpu.memory_space<vmem>>, vector<16xi32>,
    tpu.vector_store %arg8[%swap3A_143], %add3A_140 {strides = array<i32>} : memref<160xi32, #tpu.memory_space<vmem>>, vector<16xi32>,
    tpu.vector_store_idx %arg4[%add3A_140], %broadcast_in_dim3A_3 : memref<20480xf32, #tpu.memory_space<vmem>>[vector<16xi32>], vector<16xf32>,
    %scan3A_145 = arith.constant 7 : i32
    %mul3A_146 = arith.constant 2048 : i32
    %mul3A_147 = arith.muli %scan3A_145, %mul3A_146 : i32
    %add3A_148 = vector.broadcast %mul3A_147 : i32 to vector<16xi32>
    %add3A_149 = arith.addi %mul3A_6, %add3A_148 : vector<16xi32>
    %mul3A_150 = arith.constant 16 : i32
    %mul3A_151 = arith.muli %scan3A_145, %mul3A_150 : i32
    %get3A_152 = arith.index_cast %mul3A_151 : i32 to index
    %get3A_153 = tpu.vector_load %arg6[%get3A_152] {strides = array<i32>} : memref<160xi32, #tpu.memory_space<vmem>>, vector<16xi32>,
    %add3A_154 = arith.addi %add3A_149, %get3A_153 : vector<16xi32>
    %mul3A_155 = arith.constant 16 : i32
    %mul3A_156 = arith.muli %scan3A_145, %mul3A_155 : i32
    %swap3A_157 = arith.index_cast %mul3A_156 : i32 to index
    %swap3A_158 = tpu.vector_load %arg8[%swap3A_157] {strides = array<i32>} : memref<160xi32, #tpu.memory_space<vmem>>, vector<16xi32>,
    tpu.vector_store %arg8[%swap3A_157], %add3A_154 {strides = array<i32>} : memref<160xi32, #tpu.memory_space<vmem>>, vector<16xi32>,
    tpu.vector_store_idx %arg4[%add3A_154], %broadcast_in_dim3A_3 : memref<20480xf32, #tpu.memory_space<vmem>>[vector<16xi32>], vector<16xf32>,
    %scan3A_159 = arith.constant 8 : i32
    %mul3A_160 = arith.constant 2048 : i32
    %mul3A_161 = arith.muli %scan3A_159, %mul3A_160 : i32
    %add3A_162 = vector.broadcast %mul3A_161 : i32 to vector<16xi32>
    %add3A_163 = arith.addi %mul3A_6, %add3A_162 : vector<16xi32>
    %mul3A_164 = arith.constant 16 : i32
    %mul3A_165 = arith.muli %scan3A_159, %mul3A_164 : i32
    %get3A_166 = arith.index_cast %mul3A_165 : i32 to index
    %get3A_167 = tpu.vector_load %arg6[%get3A_166] {strides = array<i32>} : memref<160xi32, #tpu.memory_space<vmem>>, vector<16xi32>,
    %add3A_168 = arith.addi %add3A_163, %get3A_167 : vector<16xi32>
    %mul3A_169 = arith.constant 16 : i32
    %mul3A_170 = arith.muli %scan3A_159, %mul3A_169 : i32
    %swap3A_171 = arith.index_cast %mul3A_170 : i32 to index
    %swap3A_172 = tpu.vector_load %arg8[%swap3A_171] {strides = array<i32>} : memref<160xi32, #tpu.memory_space<vmem>>, vector<16xi32>,
    tpu.vector_store %arg8[%swap3A_171], %add3A_168 {strides = array<i32>} : memref<160xi32, #tpu.memory_space<vmem>>, vector<16xi32>,
    tpu.vector_store_idx %arg4[%add3A_168], %broadcast_in_dim3A_3 : memref<20480xf32, #tpu.memory_space<vmem>>[vector<16xi32>], vector<16xf32>,
    %scan3A_173 = arith.constant 9 : i32
    %mul3A_174 = arith.constant 2048 : i32
    %mul3A_175 = arith.muli %scan3A_173, %mul3A_174 : i32
    %add3A_176 = vector.broadcast %mul3A_175 : i32 to vector<16xi32>
    %add3A_177 = arith.addi %mul3A_6, %add3A_176 : vector<16xi32>
    %mul3A_178 = arith.constant 16 : i32
    %mul3A_179 = arith.muli %scan3A_173, %mul3A_178 : i32
    %get3A_180 = arith.index_cast %mul3A_179 : i32 to index
    %get3A_181 = tpu.vector_load %arg6[%get3A_180] {strides = array<i32>} : memref<160xi32, #tpu.memory_space<vmem>>, vector<16xi32>,
    %add3A_182 = arith.addi %add3A_177, %get3A_181 : vector<16xi32>
    %mul3A_183 = arith.constant 16 : i32
    %mul3A_184 = arith.muli %scan3A_173, %mul3A_183 : i32
    %swap3A_185 = arith.index_cast %mul3A_184 : i32 to index
    %swap3A_186 = tpu.vector_load %arg8[%swap3A_185] {strides = array<i32>} : memref<160xi32, #tpu.memory_space<vmem>>, vector<16xi32>,
    tpu.vector_store %arg8[%swap3A_185], %add3A_182 {strides = array<i32>} : memref<160xi32, #tpu.memory_space<vmem>>, vector<16xi32>,
    tpu.vector_store_idx %arg4[%add3A_182], %broadcast_in_dim3A_3 : memref<20480xf32, #tpu.memory_space<vmem>>[vector<16xi32>], vector<16xf32>,
    %scan3A_187 = arith.constant 10 : i32
    %add3A_188 = arith.constant 0 : i32
    %add3A_189 = arith.addi %add3A, %add3A_188 : i32
    %mul3A_190 = arith.constant 20480 : i32
    %mul3A_191 = arith.muli %add3A_189, %mul3A_190 : i32
    %dma_start3A_192 = tpu.memref_slice %arg3[%mul3A_191] : memref<12800000xf32, #tpu.memory_space<hbm>> -> memref<20480xf32, #tpu.memory_space<hbm>>
    %dma_start3A_193 = tpu.memref_slice %arg3[%mul3A_191] : memref<12800000xf32, #tpu.memory_space<hbm>> -> memref<20480xf32, #tpu.memory_space<hbm>>
    tpu.enqueue_dma source(%arg4 : memref<20480xf32, #tpu.memory_space<vmem>>) target(%dma_start3A_193 : memref<20480xf32, #tpu.memory_space<hbm>>) target_semaphore(%arg10 : memref<!tpu.dma_semaphore, #tpu.memory_space<semaphore_mem>>)
    %add3A_194 = arith.constant 64 : i32
    %add3A_195 = arith.addi %add3A, %add3A_194 : i32
    %mul3A_196 = arith.constant 160 : i32
    %mul3A_197 = arith.muli %add3A_195, %mul3A_196 : i32
    %dma_start3A_198 = tpu.memref_slice %arg2[%mul3A_197] : memref<100000xi32, #tpu.memory_space<hbm>> -> memref<160xi32, #tpu.memory_space<hbm>>
    %dma_start3A_199 = tpu.memref_slice %arg2[%mul3A_197] : memref<100000xi32, #tpu.memory_space<hbm>> -> memref<160xi32, #tpu.memory_space<hbm>>
    tpu.enqueue_dma source(%dma_start3A_199 : memref<160xi32, #tpu.memory_space<hbm>>) target(%arg6 : memref<160xi32, #tpu.memory_space<vmem>>) target_semaphore(%arg12 : memref<!tpu.dma_semaphore, #tpu.memory_space<semaphore_mem>>)
    %scan3A_200 = arith.constant 0 : i32
    %scan3A_201 = arith.constant 0 : i32
    %scan3A_202 = arith.constant 1280 : i32
    %scan3A_203 = arith.addi %scan3A_201, %scan3A_202 : i32
    %scan3A_204 = arith.constant 16 : i32
    scf.for %scan3A_378 = %scan3A_201 to %scan3A_203 step %scan3A_204  : i32 {
      %mul3A_379 = arith.constant 16 : i32
      %mul3A_380 = arith.muli %scan3A_378, %mul3A_379 : i32
      %swap3A_381 = arith.index_cast %mul3A_380 : i32 to index
      %swap3A_382 = tpu.vector_load %arg5[%swap3A_381] {strides = array<i32>} : memref<20480xf32, #tpu.memory_space<vmem>>, vector<16xf32>,
      tpu.vector_store %arg5[%swap3A_381], %broadcast_in_dim3A_1 {strides = array<i32>} : memref<20480xf32, #tpu.memory_space<vmem>>, vector<16xf32>,
      %scan3A_383 = arith.constant 1 : i32
      %scan3A_384 = arith.addi %scan3A_378, %scan3A_383 : i32
      %mul3A_385 = arith.constant 16 : i32
      %mul3A_386 = arith.muli %scan3A_384, %mul3A_385 : i32
      %swap3A_387 = arith.index_cast %mul3A_386 : i32 to index
      %swap3A_388 = tpu.vector_load %arg5[%swap3A_387] {strides = array<i32>} : memref<20480xf32, #tpu.memory_space<vmem>>, vector<16xf32>,
      tpu.vector_store %arg5[%swap3A_387], %broadcast_in_dim3A_1 {strides = array<i32>} : memref<20480xf32, #tpu.memory_space<vmem>>, vector<16xf32>,
      %scan3A_389 = arith.constant 2 : i32
      %scan3A_390 = arith.addi %scan3A_378, %scan3A_389 : i32
      %mul3A_391 = arith.constant 16 : i32
      %mul3A_392 = arith.muli %scan3A_390, %mul3A_391 : i32
      %swap3A_393 = arith.index_cast %mul3A_392 : i32 to index
      %swap3A_394 = tpu.vector_load %arg5[%swap3A_393] {strides = array<i32>} : memref<20480xf32, #tpu.memory_space<vmem>>, vector<16xf32>,
      tpu.vector_store %arg5[%swap3A_393], %broadcast_in_dim3A_1 {strides = array<i32>} : memref<20480xf32, #tpu.memory_space<vmem>>, vector<16xf32>,
      %scan3A_395 = arith.constant 3 : i32
      %scan3A_396 = arith.addi %scan3A_378, %scan3A_395 : i32
      %mul3A_397 = arith.constant 16 : i32
      %mul3A_398 = arith.muli %scan3A_396, %mul3A_397 : i32
      %swap3A_399 = arith.index_cast %mul3A_398 : i32 to index
      %swap3A_400 = tpu.vector_load %arg5[%swap3A_399] {strides = array<i32>} : memref<20480xf32, #tpu.memory_space<vmem>>, vector<16xf32>,
      tpu.vector_store %arg5[%swap3A_399], %broadcast_in_dim3A_1 {strides = array<i32>} : memref<20480xf32, #tpu.memory_space<vmem>>, vector<16xf32>,
      %scan3A_401 = arith.constant 4 : i32
      %scan3A_402 = arith.addi %scan3A_378, %scan3A_401 : i32
      %mul3A_403 = arith.constant 16 : i32
      %mul3A_404 = arith.muli %scan3A_402, %mul3A_403 : i32
      %swap3A_405 = arith.index_cast %mul3A_404 : i32 to index
      %swap3A_406 = tpu.vector_load %arg5[%swap3A_405] {strides = array<i32>} : memref<20480xf32, #tpu.memory_space<vmem>>, vector<16xf32>,
      tpu.vector_store %arg5[%swap3A_405], %broadcast_in_dim3A_1 {strides = array<i32>} : memref<20480xf32, #tpu.memory_space<vmem>>, vector<16xf32>,
      %scan3A_407 = arith.constant 5 : i32
      %scan3A_408 = arith.addi %scan3A_378, %scan3A_407 : i32
      %mul3A_409 = arith.constant 16 : i32
      %mul3A_410 = arith.muli %scan3A_408, %mul3A_409 : i32
      %swap3A_411 = arith.index_cast %mul3A_410 : i32 to index
      %swap3A_412 = tpu.vector_load %arg5[%swap3A_411] {strides = array<i32>} : memref<20480xf32, #tpu.memory_space<vmem>>, vector<16xf32>,
      tpu.vector_store %arg5[%swap3A_411], %broadcast_in_dim3A_1 {strides = array<i32>} : memref<20480xf32, #tpu.memory_space<vmem>>, vector<16xf32>,
      %scan3A_413 = arith.constant 6 : i32
      %scan3A_414 = arith.addi %scan3A_378, %scan3A_413 : i32
      %mul3A_415 = arith.constant 16 : i32
      %mul3A_416 = arith.muli %scan3A_414, %mul3A_415 : i32
      %swap3A_417 = arith.index_cast %mul3A_416 : i32 to index
      %swap3A_418 = tpu.vector_load %arg5[%swap3A_417] {strides = array<i32>} : memref<20480xf32, #tpu.memory_space<vmem>>, vector<16xf32>,
      tpu.vector_store %arg5[%swap3A_417], %broadcast_in_dim3A_1 {strides = array<i32>} : memref<20480xf32, #tpu.memory_space<vmem>>, vector<16xf32>,
      %scan3A_419 = arith.constant 7 : i32
      %scan3A_420 = arith.addi %scan3A_378, %scan3A_419 : i32
      %mul3A_421 = arith.constant 16 : i32
      %mul3A_422 = arith.muli %scan3A_420, %mul3A_421 : i32
      %swap3A_423 = arith.index_cast %mul3A_422 : i32 to index
      %swap3A_424 = tpu.vector_load %arg5[%swap3A_423] {strides = array<i32>} : memref<20480xf32, #tpu.memory_space<vmem>>, vector<16xf32>,
      tpu.vector_store %arg5[%swap3A_423], %broadcast_in_dim3A_1 {strides = array<i32>} : memref<20480xf32, #tpu.memory_space<vmem>>, vector<16xf32>,
      %scan3A_425 = arith.constant 8 : i32
      %scan3A_426 = arith.addi %scan3A_378, %scan3A_425 : i32
      %mul3A_427 = arith.constant 16 : i32
      %mul3A_428 = arith.muli %scan3A_426, %mul3A_427 : i32
      %swap3A_429 = arith.index_cast %mul3A_428 : i32 to index
      %swap3A_430 = tpu.vector_load %arg5[%swap3A_429] {strides = array<i32>} : memref<20480xf32, #tpu.memory_space<vmem>>, vector<16xf32>,
      tpu.vector_store %arg5[%swap3A_429], %broadcast_in_dim3A_1 {strides = array<i32>} : memref<20480xf32, #tpu.memory_space<vmem>>, vector<16xf32>,
      %scan3A_431 = arith.constant 9 : i32
      %scan3A_432 = arith.addi %scan3A_378, %scan3A_431 : i32
      %mul3A_433 = arith.constant 16 : i32
      %mul3A_434 = arith.muli %scan3A_432, %mul3A_433 : i32
      %swap3A_435 = arith.index_cast %mul3A_434 : i32 to index
      %swap3A_436 = tpu.vector_load %arg5[%swap3A_435] {strides = array<i32>} : memref<20480xf32, #tpu.memory_space<vmem>>, vector<16xf32>,
      tpu.vector_store %arg5[%swap3A_435], %broadcast_in_dim3A_1 {strides = array<i32>} : memref<20480xf32, #tpu.memory_space<vmem>>, vector<16xf32>,
      %scan3A_437 = arith.constant 10 : i32
      %scan3A_438 = arith.addi %scan3A_378, %scan3A_437 : i32
      %mul3A_439 = arith.constant 16 : i32
      %mul3A_440 = arith.muli %scan3A_438, %mul3A_439 : i32
      %swap3A_441 = arith.index_cast %mul3A_440 : i32 to index
      %swap3A_442 = tpu.vector_load %arg5[%swap3A_441] {strides = array<i32>} : memref<20480xf32, #tpu.memory_space<vmem>>, vector<16xf32>,
      tpu.vector_store %arg5[%swap3A_441], %broadcast_in_dim3A_1 {strides = array<i32>} : memref<20480xf32, #tpu.memory_space<vmem>>, vector<16xf32>,
      %scan3A_443 = arith.constant 11 : i32
      %scan3A_444 = arith.addi %scan3A_378, %scan3A_443 : i32
      %mul3A_445 = arith.constant 16 : i32
      %mul3A_446 = arith.muli %scan3A_444, %mul3A_445 : i32
      %swap3A_447 = arith.index_cast %mul3A_446 : i32 to index
      %swap3A_448 = tpu.vector_load %arg5[%swap3A_447] {strides = array<i32>} : memref<20480xf32, #tpu.memory_space<vmem>>, vector<16xf32>,
      tpu.vector_store %arg5[%swap3A_447], %broadcast_in_dim3A_1 {strides = array<i32>} : memref<20480xf32, #tpu.memory_space<vmem>>, vector<16xf32>,
      %scan3A_449 = arith.constant 12 : i32
      %scan3A_450 = arith.addi %scan3A_378, %scan3A_449 : i32
      %mul3A_451 = arith.constant 16 : i32
      %mul3A_452 = arith.muli %scan3A_450, %mul3A_451 : i32
      %swap3A_453 = arith.index_cast %mul3A_452 : i32 to index
      %swap3A_454 = tpu.vector_load %arg5[%swap3A_453] {strides = array<i32>} : memref<20480xf32, #tpu.memory_space<vmem>>, vector<16xf32>,
      tpu.vector_store %arg5[%swap3A_453], %broadcast_in_dim3A_1 {strides = array<i32>} : memref<20480xf32, #tpu.memory_space<vmem>>, vector<16xf32>,
      %scan3A_455 = arith.constant 13 : i32
      %scan3A_456 = arith.addi %scan3A_378, %scan3A_455 : i32
      %mul3A_457 = arith.constant 16 : i32
      %mul3A_458 = arith.muli %scan3A_456, %mul3A_457 : i32
      %swap3A_459 = arith.index_cast %mul3A_458 : i32 to index
      %swap3A_460 = tpu.vector_load %arg5[%swap3A_459] {strides = array<i32>} : memref<20480xf32, #tpu.memory_space<vmem>>, vector<16xf32>,
      tpu.vector_store %arg5[%swap3A_459], %broadcast_in_dim3A_1 {strides = array<i32>} : memref<20480xf32, #tpu.memory_space<vmem>>, vector<16xf32>,
      %scan3A_461 = arith.constant 14 : i32
      %scan3A_462 = arith.addi %scan3A_378, %scan3A_461 : i32
      %mul3A_463 = arith.constant 16 : i32
      %mul3A_464 = arith.muli %scan3A_462, %mul3A_463 : i32
      %swap3A_465 = arith.index_cast %mul3A_464 : i32 to index
      %swap3A_466 = tpu.vector_load %arg5[%swap3A_465] {strides = array<i32>} : memref<20480xf32, #tpu.memory_space<vmem>>, vector<16xf32>,
      tpu.vector_store %arg5[%swap3A_465], %broadcast_in_dim3A_1 {strides = array<i32>} : memref<20480xf32, #tpu.memory_space<vmem>>, vector<16xf32>,
      %scan3A_467 = arith.constant 15 : i32
      %scan3A_468 = arith.addi %scan3A_378, %scan3A_467 : i32
      %mul3A_469 = arith.constant 16 : i32
      %mul3A_470 = arith.muli %scan3A_468, %mul3A_469 : i32
      %swap3A_471 = arith.index_cast %mul3A_470 : i32 to index
      %swap3A_472 = tpu.vector_load %arg5[%swap3A_471] {strides = array<i32>} : memref<20480xf32, #tpu.memory_space<vmem>>, vector<16xf32>,
      tpu.vector_store %arg5[%swap3A_471], %broadcast_in_dim3A_1 {strides = array<i32>} : memref<20480xf32, #tpu.memory_space<vmem>>, vector<16xf32>,
    }
    %scan3A_205 = arith.constant 1280 : i32
    %dma_wait3A_206 = arith.constant 0 : i32
    %dma_wait3A_207 = tpu.memref_slice %arg2[%dma_wait3A_206] : memref<100000xi32, #tpu.memory_space<hbm>> -> memref<160xi32, #tpu.memory_space<hbm>>
    %dma_wait3A_208 = arith.constant 0 : i32
    %dma_wait3A_209 = tpu.memref_slice %arg2[%dma_wait3A_208] : memref<100000xi32, #tpu.memory_space<hbm>> -> memref<160xi32, #tpu.memory_space<hbm>>
    tpu.wait_dma2 semaphore(%arg13 : memref<!tpu.dma_semaphore, #tpu.memory_space<semaphore_mem>>) src(%dma_wait3A_209 : memref<160xi32, #tpu.memory_space<hbm>>) dst(%arg7 : memref<160xi32, #tpu.memory_space<vmem>>)
    %scan3A_210 = arith.constant 0 : i32
    %scan3A_211 = arith.constant 0 : i32
    %mul3A_212 = arith.constant 2048 : i32
    %mul3A_213 = arith.muli %scan3A_211, %mul3A_212 : i32
    %add3A_214 = vector.broadcast %mul3A_213 : i32 to vector<16xi32>
    %add3A_215 = arith.addi %mul3A_6, %add3A_214 : vector<16xi32>
    %mul3A_216 = arith.constant 16 : i32
    %mul3A_217 = arith.muli %scan3A_211, %mul3A_216 : i32
    %get3A_218 = arith.index_cast %mul3A_217 : i32 to index
    %get3A_219 = tpu.vector_load %arg7[%get3A_218] {strides = array<i32>} : memref<160xi32, #tpu.memory_space<vmem>>, vector<16xi32>,
    %add3A_220 = arith.addi %add3A_215, %get3A_219 : vector<16xi32>
    %mul3A_221 = arith.constant 16 : i32
    %mul3A_222 = arith.muli %scan3A_211, %mul3A_221 : i32
    %swap3A_223 = arith.index_cast %mul3A_222 : i32 to index
    %swap3A_224 = tpu.vector_load %arg9[%swap3A_223] {strides = array<i32>} : memref<160xi32, #tpu.memory_space<vmem>>, vector<16xi32>,
    tpu.vector_store %arg9[%swap3A_223], %add3A_220 {strides = array<i32>} : memref<160xi32, #tpu.memory_space<vmem>>, vector<16xi32>,
    tpu.vector_store_idx %arg5[%add3A_220], %broadcast_in_dim3A_3 : memref<20480xf32, #tpu.memory_space<vmem>>[vector<16xi32>], vector<16xf32>,
    %scan3A_225 = arith.constant 1 : i32
    %mul3A_226 = arith.constant 2048 : i32
    %mul3A_227 = arith.muli %scan3A_225, %mul3A_226 : i32
    %add3A_228 = vector.broadcast %mul3A_227 : i32 to vector<16xi32>
    %add3A_229 = arith.addi %mul3A_6, %add3A_228 : vector<16xi32>
    %mul3A_230 = arith.constant 16 : i32
    %mul3A_231 = arith.muli %scan3A_225, %mul3A_230 : i32
    %get3A_232 = arith.index_cast %mul3A_231 : i32 to index
    %get3A_233 = tpu.vector_load %arg7[%get3A_232] {strides = array<i32>} : memref<160xi32, #tpu.memory_space<vmem>>, vector<16xi32>,
    %add3A_234 = arith.addi %add3A_229, %get3A_233 : vector<16xi32>
    %mul3A_235 = arith.constant 16 : i32
    %mul3A_236 = arith.muli %scan3A_225, %mul3A_235 : i32
    %swap3A_237 = arith.index_cast %mul3A_236 : i32 to index
    %swap3A_238 = tpu.vector_load %arg9[%swap3A_237] {strides = array<i32>} : memref<160xi32, #tpu.memory_space<vmem>>, vector<16xi32>,
    tpu.vector_store %arg9[%swap3A_237], %add3A_234 {strides = array<i32>} : memref<160xi32, #tpu.memory_space<vmem>>, vector<16xi32>,
    tpu.vector_store_idx %arg5[%add3A_234], %broadcast_in_dim3A_3 : memref<20480xf32, #tpu.memory_space<vmem>>[vector<16xi32>], vector<16xf32>,
    %scan3A_239 = arith.constant 2 : i32
    %mul3A_240 = arith.constant 2048 : i32
    %mul3A_241 = arith.muli %scan3A_239, %mul3A_240 : i32
    %add3A_242 = vector.broadcast %mul3A_241 : i32 to vector<16xi32>
    %add3A_243 = arith.addi %mul3A_6, %add3A_242 : vector<16xi32>
    %mul3A_244 = arith.constant 16 : i32
    %mul3A_245 = arith.muli %scan3A_239, %mul3A_244 : i32
    %get3A_246 = arith.index_cast %mul3A_245 : i32 to index
    %get3A_247 = tpu.vector_load %arg7[%get3A_246] {strides = array<i32>} : memref<160xi32, #tpu.memory_space<vmem>>, vector<16xi32>,
    %add3A_248 = arith.addi %add3A_243, %get3A_247 : vector<16xi32>
    %mul3A_249 = arith.constant 16 : i32
    %mul3A_250 = arith.muli %scan3A_239, %mul3A_249 : i32
    %swap3A_251 = arith.index_cast %mul3A_250 : i32 to index
    %swap3A_252 = tpu.vector_load %arg9[%swap3A_251] {strides = array<i32>} : memref<160xi32, #tpu.memory_space<vmem>>, vector<16xi32>,
    tpu.vector_store %arg9[%swap3A_251], %add3A_248 {strides = array<i32>} : memref<160xi32, #tpu.memory_space<vmem>>, vector<16xi32>,
    tpu.vector_store_idx %arg5[%add3A_248], %broadcast_in_dim3A_3 : memref<20480xf32, #tpu.memory_space<vmem>>[vector<16xi32>], vector<16xf32>,
    %scan3A_253 = arith.constant 3 : i32
    %mul3A_254 = arith.constant 2048 : i32
    %mul3A_255 = arith.muli %scan3A_253, %mul3A_254 : i32
    %add3A_256 = vector.broadcast %mul3A_255 : i32 to vector<16xi32>
    %add3A_257 = arith.addi %mul3A_6, %add3A_256 : vector<16xi32>
    %mul3A_258 = arith.constant 16 : i32
    %mul3A_259 = arith.muli %scan3A_253, %mul3A_258 : i32
    %get3A_260 = arith.index_cast %mul3A_259 : i32 to index
    %get3A_261 = tpu.vector_load %arg7[%get3A_260] {strides = array<i32>} : memref<160xi32, #tpu.memory_space<vmem>>, vector<16xi32>,
    %add3A_262 = arith.addi %add3A_257, %get3A_261 : vector<16xi32>
    %mul3A_263 = arith.constant 16 : i32
    %mul3A_264 = arith.muli %scan3A_253, %mul3A_263 : i32
    %swap3A_265 = arith.index_cast %mul3A_264 : i32 to index
    %swap3A_266 = tpu.vector_load %arg9[%swap3A_265] {strides = array<i32>} : memref<160xi32, #tpu.memory_space<vmem>>, vector<16xi32>,
    tpu.vector_store %arg9[%swap3A_265], %add3A_262 {strides = array<i32>} : memref<160xi32, #tpu.memory_space<vmem>>, vector<16xi32>,
    tpu.vector_store_idx %arg5[%add3A_262], %broadcast_in_dim3A_3 : memref<20480xf32, #tpu.memory_space<vmem>>[vector<16xi32>], vector<16xf32>,
    %scan3A_267 = arith.constant 4 : i32
    %mul3A_268 = arith.constant 2048 : i32
    %mul3A_269 = arith.muli %scan3A_267, %mul3A_268 : i32
    %add3A_270 = vector.broadcast %mul3A_269 : i32 to vector<16xi32>
    %add3A_271 = arith.addi %mul3A_6, %add3A_270 : vector<16xi32>
    %mul3A_272 = arith.constant 16 : i32
    %mul3A_273 = arith.muli %scan3A_267, %mul3A_272 : i32
    %get3A_274 = arith.index_cast %mul3A_273 : i32 to index
    %get3A_275 = tpu.vector_load %arg7[%get3A_274] {strides = array<i32>} : memref<160xi32, #tpu.memory_space<vmem>>, vector<16xi32>,
    %add3A_276 = arith.addi %add3A_271, %get3A_275 : vector<16xi32>
    %mul3A_277 = arith.constant 16 : i32
    %mul3A_278 = arith.muli %scan3A_267, %mul3A_277 : i32
    %swap3A_279 = arith.index_cast %mul3A_278 : i32 to index
    %swap3A_280 = tpu.vector_load %arg9[%swap3A_279] {strides = array<i32>} : memref<160xi32, #tpu.memory_space<vmem>>, vector<16xi32>,
    tpu.vector_store %arg9[%swap3A_279], %add3A_276 {strides = array<i32>} : memref<160xi32, #tpu.memory_space<vmem>>, vector<16xi32>,
    tpu.vector_store_idx %arg5[%add3A_276], %broadcast_in_dim3A_3 : memref<20480xf32, #tpu.memory_space<vmem>>[vector<16xi32>], vector<16xf32>,
    %scan3A_281 = arith.constant 5 : i32
    %mul3A_282 = arith.constant 2048 : i32
    %mul3A_283 = arith.muli %scan3A_281, %mul3A_282 : i32
    %add3A_284 = vector.broadcast %mul3A_283 : i32 to vector<16xi32>
    %add3A_285 = arith.addi %mul3A_6, %add3A_284 : vector<16xi32>
    %mul3A_286 = arith.constant 16 : i32
    %mul3A_287 = arith.muli %scan3A_281, %mul3A_286 : i32
    %get3A_288 = arith.index_cast %mul3A_287 : i32 to index
    %get3A_289 = tpu.vector_load %arg7[%get3A_288] {strides = array<i32>} : memref<160xi32, #tpu.memory_space<vmem>>, vector<16xi32>,
    %add3A_290 = arith.addi %add3A_285, %get3A_289 : vector<16xi32>
    %mul3A_291 = arith.constant 16 : i32
    %mul3A_292 = arith.muli %scan3A_281, %mul3A_291 : i32
    %swap3A_293 = arith.index_cast %mul3A_292 : i32 to index
    %swap3A_294 = tpu.vector_load %arg9[%swap3A_293] {strides = array<i32>} : memref<160xi32, #tpu.memory_space<vmem>>, vector<16xi32>,
    tpu.vector_store %arg9[%swap3A_293], %add3A_290 {strides = array<i32>} : memref<160xi32, #tpu.memory_space<vmem>>, vector<16xi32>,
    tpu.vector_store_idx %arg5[%add3A_290], %broadcast_in_dim3A_3 : memref<20480xf32, #tpu.memory_space<vmem>>[vector<16xi32>], vector<16xf32>,
    %scan3A_295 = arith.constant 6 : i32
    %mul3A_296 = arith.constant 2048 : i32
    %mul3A_297 = arith.muli %scan3A_295, %mul3A_296 : i32
    %add3A_298 = vector.broadcast %mul3A_297 : i32 to vector<16xi32>
    %add3A_299 = arith.addi %mul3A_6, %add3A_298 : vector<16xi32>
    %mul3A_300 = arith.constant 16 : i32
    %mul3A_301 = arith.muli %scan3A_295, %mul3A_300 : i32
    %get3A_302 = arith.index_cast %mul3A_301 : i32 to index
    %get3A_303 = tpu.vector_load %arg7[%get3A_302] {strides = array<i32>} : memref<160xi32, #tpu.memory_space<vmem>>, vector<16xi32>,
    %add3A_304 = arith.addi %add3A_299, %get3A_303 : vector<16xi32>
    %mul3A_305 = arith.constant 16 : i32
    %mul3A_306 = arith.muli %scan3A_295, %mul3A_305 : i32
    %swap3A_307 = arith.index_cast %mul3A_306 : i32 to index
    %swap3A_308 = tpu.vector_load %arg9[%swap3A_307] {strides = array<i32>} : memref<160xi32, #tpu.memory_space<vmem>>, vector<16xi32>,
    tpu.vector_store %arg9[%swap3A_307], %add3A_304 {strides = array<i32>} : memref<160xi32, #tpu.memory_space<vmem>>, vector<16xi32>,
    tpu.vector_store_idx %arg5[%add3A_304], %broadcast_in_dim3A_3 : memref<20480xf32, #tpu.memory_space<vmem>>[vector<16xi32>], vector<16xf32>,
    %scan3A_309 = arith.constant 7 : i32
    %mul3A_310 = arith.constant 2048 : i32
    %mul3A_311 = arith.muli %scan3A_309, %mul3A_310 : i32
    %add3A_312 = vector.broadcast %mul3A_311 : i32 to vector<16xi32>
    %add3A_313 = arith.addi %mul3A_6, %add3A_312 : vector<16xi32>
    %mul3A_314 = arith.constant 16 : i32
    %mul3A_315 = arith.muli %scan3A_309, %mul3A_314 : i32
    %get3A_316 = arith.index_cast %mul3A_315 : i32 to index
    %get3A_317 = tpu.vector_load %arg7[%get3A_316] {strides = array<i32>} : memref<160xi32, #tpu.memory_space<vmem>>, vector<16xi32>,
    %add3A_318 = arith.addi %add3A_313, %get3A_317 : vector<16xi32>
    %mul3A_319 = arith.constant 16 : i32
    %mul3A_320 = arith.muli %scan3A_309, %mul3A_319 : i32
    %swap3A_321 = arith.index_cast %mul3A_320 : i32 to index
    %swap3A_322 = tpu.vector_load %arg9[%swap3A_321] {strides = array<i32>} : memref<160xi32, #tpu.memory_space<vmem>>, vector<16xi32>,
    tpu.vector_store %arg9[%swap3A_321], %add3A_318 {strides = array<i32>} : memref<160xi32, #tpu.memory_space<vmem>>, vector<16xi32>,
    tpu.vector_store_idx %arg5[%add3A_318], %broadcast_in_dim3A_3 : memref<20480xf32, #tpu.memory_space<vmem>>[vector<16xi32>], vector<16xf32>,
    %scan3A_323 = arith.constant 8 : i32
    %mul3A_324 = arith.constant 2048 : i32
    %mul3A_325 = arith.muli %scan3A_323, %mul3A_324 : i32
    %add3A_326 = vector.broadcast %mul3A_325 : i32 to vector<16xi32>
    %add3A_327 = arith.addi %mul3A_6, %add3A_326 : vector<16xi32>
    %mul3A_328 = arith.constant 16 : i32
    %mul3A_329 = arith.muli %scan3A_323, %mul3A_328 : i32
    %get3A_330 = arith.index_cast %mul3A_329 : i32 to index
    %get3A_331 = tpu.vector_load %arg7[%get3A_330] {strides = array<i32>} : memref<160xi32, #tpu.memory_space<vmem>>, vector<16xi32>,
    %add3A_332 = arith.addi %add3A_327, %get3A_331 : vector<16xi32>
    %mul3A_333 = arith.constant 16 : i32
    %mul3A_334 = arith.muli %scan3A_323, %mul3A_333 : i32
    %swap3A_335 = arith.index_cast %mul3A_334 : i32 to index
    %swap3A_336 = tpu.vector_load %arg9[%swap3A_335] {strides = array<i32>} : memref<160xi32, #tpu.memory_space<vmem>>, vector<16xi32>,
    tpu.vector_store %arg9[%swap3A_335], %add3A_332 {strides = array<i32>} : memref<160xi32, #tpu.memory_space<vmem>>, vector<16xi32>,
    tpu.vector_store_idx %arg5[%add3A_332], %broadcast_in_dim3A_3 : memref<20480xf32, #tpu.memory_space<vmem>>[vector<16xi32>], vector<16xf32>,
    %scan3A_337 = arith.constant 9 : i32
    %mul3A_338 = arith.constant 2048 : i32
    %mul3A_339 = arith.muli %scan3A_337, %mul3A_338 : i32
    %add3A_340 = vector.broadcast %mul3A_339 : i32 to vector<16xi32>
    %add3A_341 = arith.addi %mul3A_6, %add3A_340 : vector<16xi32>
    %mul3A_342 = arith.constant 16 : i32
    %mul3A_343 = arith.muli %scan3A_337, %mul3A_342 : i32
    %get3A_344 = arith.index_cast %mul3A_343 : i32 to index
    %get3A_345 = tpu.vector_load %arg7[%get3A_344] {strides = array<i32>} : memref<160xi32, #tpu.memory_space<vmem>>, vector<16xi32>,
    %add3A_346 = arith.addi %add3A_341, %get3A_345 : vector<16xi32>
    %mul3A_347 = arith.constant 16 : i32
    %mul3A_348 = arith.muli %scan3A_337, %mul3A_347 : i32
    %swap3A_349 = arith.index_cast %mul3A_348 : i32 to index
    %swap3A_350 = tpu.vector_load %arg9[%swap3A_349] {strides = array<i32>} : memref<160xi32, #tpu.memory_space<vmem>>, vector<16xi32>,
    tpu.vector_store %arg9[%swap3A_349], %add3A_346 {strides = array<i32>} : memref<160xi32, #tpu.memory_space<vmem>>, vector<16xi32>,
    tpu.vector_store_idx %arg5[%add3A_346], %broadcast_in_dim3A_3 : memref<20480xf32, #tpu.memory_space<vmem>>[vector<16xi32>], vector<16xf32>,
    %scan3A_351 = arith.constant 10 : i32
    %add3A_352 = arith.constant 32 : i32
    %add3A_353 = arith.addi %add3A, %add3A_352 : i32
    %mul3A_354 = arith.constant 20480 : i32
    %mul3A_355 = arith.muli %add3A_353, %mul3A_354 : i32
    %dma_start3A_356 = tpu.memref_slice %arg3[%mul3A_355] : memref<12800000xf32, #tpu.memory_space<hbm>> -> memref<20480xf32, #tpu.memory_space<hbm>>
    %dma_start3A_357 = tpu.memref_slice %arg3[%mul3A_355] : memref<12800000xf32, #tpu.memory_space<hbm>> -> memref<20480xf32, #tpu.memory_space<hbm>>
    tpu.enqueue_dma source(%arg5 : memref<20480xf32, #tpu.memory_space<vmem>>) target(%dma_start3A_357 : memref<20480xf32, #tpu.memory_space<hbm>>) target_semaphore(%arg11 : memref<!tpu.dma_semaphore, #tpu.memory_space<semaphore_mem>>)
    %add3A_358 = arith.constant 96 : i32
    %add3A_359 = arith.addi %add3A, %add3A_358 : i32
    %mul3A_360 = arith.constant 160 : i32
    %mul3A_361 = arith.muli %add3A_359, %mul3A_360 : i32
    %dma_start3A_362 = tpu.memref_slice %arg2[%mul3A_361] : memref<100000xi32, #tpu.memory_space<hbm>> -> memref<160xi32, #tpu.memory_space<hbm>>
    %dma_start3A_363 = tpu.memref_slice %arg2[%mul3A_361] : memref<100000xi32, #tpu.memory_space<hbm>> -> memref<160xi32, #tpu.memory_space<hbm>>
    tpu.enqueue_dma source(%dma_start3A_363 : memref<160xi32, #tpu.memory_space<hbm>>) target(%arg7 : memref<160xi32, #tpu.memory_space<vmem>>) target_semaphore(%arg13 : memref<!tpu.dma_semaphore, #tpu.memory_space<semaphore_mem>>)
    %scan3A_364 = arith.constant 0 : i32
    %scan3A_365 = arith.constant 1 : i32
    %scan3A_366 = arith.constant 9 : i32
    %scan3A_367 = arith.addi %scan3A_365, %scan3A_366 : i32
    %scan3A_368 = arith.constant 1 : i32
    scf.for %scan3A_378 = %scan3A_365 to %scan3A_367 step %scan3A_368  : i32 {
      %mul3A_379 = arith.constant 2 : i32
      %mul3A_380 = arith.muli %mul3A_379, %scan3A_378 : i32
      %add3A_381 = arith.constant 0 : i32
      %add3A_382 = arith.addi %mul3A_380, %add3A_381 : i32
      %lt3A = arith.cmpi slt, %add3A_382, %select_n3A : i32
      %convert_element_type3A = arith.extui %lt3A : i1 to i32
      %cond3A = arith.constant 0 : i32
      %cond3A_383 = arith.cmpi ne, %convert_element_type3A, %cond3A : i32
      scf.if %cond3A_383 {
        %dma_wait3A_392 = arith.constant 0 : i32
        %dma_wait3A_393 = tpu.memref_slice %arg3[%dma_wait3A_392] : memref<12800000xf32, #tpu.memory_space<hbm>> -> memref<20480xf32, #tpu.memory_space<hbm>>
        %dma_wait3A_394 = arith.constant 0 : i32
        %dma_wait3A_395 = tpu.memref_slice %arg3[%dma_wait3A_394] : memref<12800000xf32, #tpu.memory_space<hbm>> -> memref<20480xf32, #tpu.memory_space<hbm>>
        tpu.wait_dma2 semaphore(%arg10 : memref<!tpu.dma_semaphore, #tpu.memory_space<semaphore_mem>>) src(%arg4 : memref<20480xf32, #tpu.memory_space<vmem>>) dst(%dma_wait3A_395 : memref<20480xf32, #tpu.memory_space<hbm>>)
        %scan3A_396 = arith.constant 0 : i32
        %scan3A_397 = arith.constant 0 : i32
        %mul3A_398 = arith.constant 16 : i32
        %mul3A_399 = arith.muli %scan3A_397, %mul3A_398 : i32
        %get3A_400 = arith.index_cast %mul3A_399 : i32 to index
        %get3A_401 = tpu.vector_load %arg8[%get3A_400] {strides = array<i32>} : memref<160xi32, #tpu.memory_space<vmem>>, vector<16xi32>,
        tpu.vector_store_idx %arg4[%get3A_401], %broadcast_in_dim3A_1 : memref<20480xf32, #tpu.memory_space<vmem>>[vector<16xi32>], vector<16xf32>,
        %scan3A_402 = arith.constant 1 : i32
        %mul3A_403 = arith.constant 16 : i32
        %mul3A_404 = arith.muli %scan3A_402, %mul3A_403 : i32
        %get3A_405 = arith.index_cast %mul3A_404 : i32 to index
        %get3A_406 = tpu.vector_load %arg8[%get3A_405] {strides = array<i32>} : memref<160xi32, #tpu.memory_space<vmem>>, vector<16xi32>,
        tpu.vector_store_idx %arg4[%get3A_406], %broadcast_in_dim3A_1 : memref<20480xf32, #tpu.memory_space<vmem>>[vector<16xi32>], vector<16xf32>,
        %scan3A_407 = arith.constant 2 : i32
        %mul3A_408 = arith.constant 16 : i32
        %mul3A_409 = arith.muli %scan3A_407, %mul3A_408 : i32
        %get3A_410 = arith.index_cast %mul3A_409 : i32 to index
        %get3A_411 = tpu.vector_load %arg8[%get3A_410] {strides = array<i32>} : memref<160xi32, #tpu.memory_space<vmem>>, vector<16xi32>,
        tpu.vector_store_idx %arg4[%get3A_411], %broadcast_in_dim3A_1 : memref<20480xf32, #tpu.memory_space<vmem>>[vector<16xi32>], vector<16xf32>,
        %scan3A_412 = arith.constant 3 : i32
        %mul3A_413 = arith.constant 16 : i32
        %mul3A_414 = arith.muli %scan3A_412, %mul3A_413 : i32
        %get3A_415 = arith.index_cast %mul3A_414 : i32 to index
        %get3A_416 = tpu.vector_load %arg8[%get3A_415] {strides = array<i32>} : memref<160xi32, #tpu.memory_space<vmem>>, vector<16xi32>,
        tpu.vector_store_idx %arg4[%get3A_416], %broadcast_in_dim3A_1 : memref<20480xf32, #tpu.memory_space<vmem>>[vector<16xi32>], vector<16xf32>,
        %scan3A_417 = arith.constant 4 : i32
        %mul3A_418 = arith.constant 16 : i32
        %mul3A_419 = arith.muli %scan3A_417, %mul3A_418 : i32
        %get3A_420 = arith.index_cast %mul3A_419 : i32 to index
        %get3A_421 = tpu.vector_load %arg8[%get3A_420] {strides = array<i32>} : memref<160xi32, #tpu.memory_space<vmem>>, vector<16xi32>,
        tpu.vector_store_idx %arg4[%get3A_421], %broadcast_in_dim3A_1 : memref<20480xf32, #tpu.memory_space<vmem>>[vector<16xi32>], vector<16xf32>,
        %scan3A_422 = arith.constant 5 : i32
        %mul3A_423 = arith.constant 16 : i32
        %mul3A_424 = arith.muli %scan3A_422, %mul3A_423 : i32
        %get3A_425 = arith.index_cast %mul3A_424 : i32 to index
        %get3A_426 = tpu.vector_load %arg8[%get3A_425] {strides = array<i32>} : memref<160xi32, #tpu.memory_space<vmem>>, vector<16xi32>,
        tpu.vector_store_idx %arg4[%get3A_426], %broadcast_in_dim3A_1 : memref<20480xf32, #tpu.memory_space<vmem>>[vector<16xi32>], vector<16xf32>,
        %scan3A_427 = arith.constant 6 : i32
        %mul3A_428 = arith.constant 16 : i32
        %mul3A_429 = arith.muli %scan3A_427, %mul3A_428 : i32
        %get3A_430 = arith.index_cast %mul3A_429 : i32 to index
        %get3A_431 = tpu.vector_load %arg8[%get3A_430] {strides = array<i32>} : memref<160xi32, #tpu.memory_space<vmem>>, vector<16xi32>,
        tpu.vector_store_idx %arg4[%get3A_431], %broadcast_in_dim3A_1 : memref<20480xf32, #tpu.memory_space<vmem>>[vector<16xi32>], vector<16xf32>,
        %scan3A_432 = arith.constant 7 : i32
        %mul3A_433 = arith.constant 16 : i32
        %mul3A_434 = arith.muli %scan3A_432, %mul3A_433 : i32
        %get3A_435 = arith.index_cast %mul3A_434 : i32 to index
        %get3A_436 = tpu.vector_load %arg8[%get3A_435] {strides = array<i32>} : memref<160xi32, #tpu.memory_space<vmem>>, vector<16xi32>,
        tpu.vector_store_idx %arg4[%get3A_436], %broadcast_in_dim3A_1 : memref<20480xf32, #tpu.memory_space<vmem>>[vector<16xi32>], vector<16xf32>,
        %scan3A_437 = arith.constant 8 : i32
        %mul3A_438 = arith.constant 16 : i32
        %mul3A_439 = arith.muli %scan3A_437, %mul3A_438 : i32
        %get3A_440 = arith.index_cast %mul3A_439 : i32 to index
        %get3A_441 = tpu.vector_load %arg8[%get3A_440] {strides = array<i32>} : memref<160xi32, #tpu.memory_space<vmem>>, vector<16xi32>,
        tpu.vector_store_idx %arg4[%get3A_441], %broadcast_in_dim3A_1 : memref<20480xf32, #tpu.memory_space<vmem>>[vector<16xi32>], vector<16xf32>,
        %scan3A_442 = arith.constant 9 : i32
        %mul3A_443 = arith.constant 16 : i32
        %mul3A_444 = arith.muli %scan3A_442, %mul3A_443 : i32
        %get3A_445 = arith.index_cast %mul3A_444 : i32 to index
        %get3A_446 = tpu.vector_load %arg8[%get3A_445] {strides = array<i32>} : memref<160xi32, #tpu.memory_space<vmem>>, vector<16xi32>,
        tpu.vector_store_idx %arg4[%get3A_446], %broadcast_in_dim3A_1 : memref<20480xf32, #tpu.memory_space<vmem>>[vector<16xi32>], vector<16xf32>,
        %scan3A_447 = arith.constant 10 : i32
        %dma_wait3A_448 = arith.constant 0 : i32
        %dma_wait3A_449 = tpu.memref_slice %arg2[%dma_wait3A_448] : memref<100000xi32, #tpu.memory_space<hbm>> -> memref<160xi32, #tpu.memory_space<hbm>>
        %dma_wait3A_450 = arith.constant 0 : i32
        %dma_wait3A_451 = tpu.memref_slice %arg2[%dma_wait3A_450] : memref<100000xi32, #tpu.memory_space<hbm>> -> memref<160xi32, #tpu.memory_space<hbm>>
        tpu.wait_dma2 semaphore(%arg12 : memref<!tpu.dma_semaphore, #tpu.memory_space<semaphore_mem>>) src(%dma_wait3A_451 : memref<160xi32, #tpu.memory_space<hbm>>) dst(%arg6 : memref<160xi32, #tpu.memory_space<vmem>>)
        %scan3A_452 = arith.constant 0 : i32
        %scan3A_453 = arith.constant 0 : i32
        %mul3A_454 = arith.constant 2048 : i32
        %mul3A_455 = arith.muli %scan3A_453, %mul3A_454 : i32
        %add3A_456 = vector.broadcast %mul3A_455 : i32 to vector<16xi32>
        %add3A_457 = arith.addi %mul3A_6, %add3A_456 : vector<16xi32>
        %mul3A_458 = arith.constant 16 : i32
        %mul3A_459 = arith.muli %scan3A_453, %mul3A_458 : i32
        %get3A_460 = arith.index_cast %mul3A_459 : i32 to index
        %get3A_461 = tpu.vector_load %arg6[%get3A_460] {strides = array<i32>} : memref<160xi32, #tpu.memory_space<vmem>>, vector<16xi32>,
        %add3A_462 = arith.addi %add3A_457, %get3A_461 : vector<16xi32>
        %mul3A_463 = arith.constant 16 : i32
        %mul3A_464 = arith.muli %scan3A_453, %mul3A_463 : i32
        %swap3A_465 = arith.index_cast %mul3A_464 : i32 to index
        %swap3A_466 = tpu.vector_load %arg8[%swap3A_465] {strides = array<i32>} : memref<160xi32, #tpu.memory_space<vmem>>, vector<16xi32>,
        tpu.vector_store %arg8[%swap3A_465], %add3A_462 {strides = array<i32>} : memref<160xi32, #tpu.memory_space<vmem>>, vector<16xi32>,
        tpu.vector_store_idx %arg4[%add3A_462], %broadcast_in_dim3A_3 : memref<20480xf32, #tpu.memory_space<vmem>>[vector<16xi32>], vector<16xf32>,
        %scan3A_467 = arith.constant 1 : i32
        %mul3A_468 = arith.constant 2048 : i32
        %mul3A_469 = arith.muli %scan3A_467, %mul3A_468 : i32
        %add3A_470 = vector.broadcast %mul3A_469 : i32 to vector<16xi32>
        %add3A_471 = arith.addi %mul3A_6, %add3A_470 : vector<16xi32>
        %mul3A_472 = arith.constant 16 : i32
        %mul3A_473 = arith.muli %scan3A_467, %mul3A_472 : i32
        %get3A_474 = arith.index_cast %mul3A_473 : i32 to index
        %get3A_475 = tpu.vector_load %arg6[%get3A_474] {strides = array<i32>} : memref<160xi32, #tpu.memory_space<vmem>>, vector<16xi32>,
        %add3A_476 = arith.addi %add3A_471, %get3A_475 : vector<16xi32>
        %mul3A_477 = arith.constant 16 : i32
        %mul3A_478 = arith.muli %scan3A_467, %mul3A_477 : i32
        %swap3A_479 = arith.index_cast %mul3A_478 : i32 to index
        %swap3A_480 = tpu.vector_load %arg8[%swap3A_479] {strides = array<i32>} : memref<160xi32, #tpu.memory_space<vmem>>, vector<16xi32>,
        tpu.vector_store %arg8[%swap3A_479], %add3A_476 {strides = array<i32>} : memref<160xi32, #tpu.memory_space<vmem>>, vector<16xi32>,
        tpu.vector_store_idx %arg4[%add3A_476], %broadcast_in_dim3A_3 : memref<20480xf32, #tpu.memory_space<vmem>>[vector<16xi32>], vector<16xf32>,
        %scan3A_481 = arith.constant 2 : i32
        %mul3A_482 = arith.constant 2048 : i32
        %mul3A_483 = arith.muli %scan3A_481, %mul3A_482 : i32
        %add3A_484 = vector.broadcast %mul3A_483 : i32 to vector<16xi32>
        %add3A_485 = arith.addi %mul3A_6, %add3A_484 : vector<16xi32>
        %mul3A_486 = arith.constant 16 : i32
        %mul3A_487 = arith.muli %scan3A_481, %mul3A_486 : i32
        %get3A_488 = arith.index_cast %mul3A_487 : i32 to index
        %get3A_489 = tpu.vector_load %arg6[%get3A_488] {strides = array<i32>} : memref<160xi32, #tpu.memory_space<vmem>>, vector<16xi32>,
        %add3A_490 = arith.addi %add3A_485, %get3A_489 : vector<16xi32>
        %mul3A_491 = arith.constant 16 : i32
        %mul3A_492 = arith.muli %scan3A_481, %mul3A_491 : i32
        %swap3A_493 = arith.index_cast %mul3A_492 : i32 to index
        %swap3A_494 = tpu.vector_load %arg8[%swap3A_493] {strides = array<i32>} : memref<160xi32, #tpu.memory_space<vmem>>, vector<16xi32>,
        tpu.vector_store %arg8[%swap3A_493], %add3A_490 {strides = array<i32>} : memref<160xi32, #tpu.memory_space<vmem>>, vector<16xi32>,
        tpu.vector_store_idx %arg4[%add3A_490], %broadcast_in_dim3A_3 : memref<20480xf32, #tpu.memory_space<vmem>>[vector<16xi32>], vector<16xf32>,
        %scan3A_495 = arith.constant 3 : i32
        %mul3A_496 = arith.constant 2048 : i32
        %mul3A_497 = arith.muli %scan3A_495, %mul3A_496 : i32
        %add3A_498 = vector.broadcast %mul3A_497 : i32 to vector<16xi32>
        %add3A_499 = arith.addi %mul3A_6, %add3A_498 : vector<16xi32>
        %mul3A_500 = arith.constant 16 : i32
        %mul3A_501 = arith.muli %scan3A_495, %mul3A_500 : i32
        %get3A_502 = arith.index_cast %mul3A_501 : i32 to index
        %get3A_503 = tpu.vector_load %arg6[%get3A_502] {strides = array<i32>} : memref<160xi32, #tpu.memory_space<vmem>>, vector<16xi32>,
        %add3A_504 = arith.addi %add3A_499, %get3A_503 : vector<16xi32>
        %mul3A_505 = arith.constant 16 : i32
        %mul3A_506 = arith.muli %scan3A_495, %mul3A_505 : i32
        %swap3A_507 = arith.index_cast %mul3A_506 : i32 to index
        %swap3A_508 = tpu.vector_load %arg8[%swap3A_507] {strides = array<i32>} : memref<160xi32, #tpu.memory_space<vmem>>, vector<16xi32>,
        tpu.vector_store %arg8[%swap3A_507], %add3A_504 {strides = array<i32>} : memref<160xi32, #tpu.memory_space<vmem>>, vector<16xi32>,
        tpu.vector_store_idx %arg4[%add3A_504], %broadcast_in_dim3A_3 : memref<20480xf32, #tpu.memory_space<vmem>>[vector<16xi32>], vector<16xf32>,
        %scan3A_509 = arith.constant 4 : i32
        %mul3A_510 = arith.constant 2048 : i32
        %mul3A_511 = arith.muli %scan3A_509, %mul3A_510 : i32
        %add3A_512 = vector.broadcast %mul3A_511 : i32 to vector<16xi32>
        %add3A_513 = arith.addi %mul3A_6, %add3A_512 : vector<16xi32>
        %mul3A_514 = arith.constant 16 : i32
        %mul3A_515 = arith.muli %scan3A_509, %mul3A_514 : i32
        %get3A_516 = arith.index_cast %mul3A_515 : i32 to index
        %get3A_517 = tpu.vector_load %arg6[%get3A_516] {strides = array<i32>} : memref<160xi32, #tpu.memory_space<vmem>>, vector<16xi32>,
        %add3A_518 = arith.addi %add3A_513, %get3A_517 : vector<16xi32>
        %mul3A_519 = arith.constant 16 : i32
        %mul3A_520 = arith.muli %scan3A_509, %mul3A_519 : i32
        %swap3A_521 = arith.index_cast %mul3A_520 : i32 to index
        %swap3A_522 = tpu.vector_load %arg8[%swap3A_521] {strides = array<i32>} : memref<160xi32, #tpu.memory_space<vmem>>, vector<16xi32>,
        tpu.vector_store %arg8[%swap3A_521], %add3A_518 {strides = array<i32>} : memref<160xi32, #tpu.memory_space<vmem>>, vector<16xi32>,
        tpu.vector_store_idx %arg4[%add3A_518], %broadcast_in_dim3A_3 : memref<20480xf32, #tpu.memory_space<vmem>>[vector<16xi32>], vector<16xf32>,
        %scan3A_523 = arith.constant 5 : i32
        %mul3A_524 = arith.constant 2048 : i32
        %mul3A_525 = arith.muli %scan3A_523, %mul3A_524 : i32
        %add3A_526 = vector.broadcast %mul3A_525 : i32 to vector<16xi32>
        %add3A_527 = arith.addi %mul3A_6, %add3A_526 : vector<16xi32>
        %mul3A_528 = arith.constant 16 : i32
        %mul3A_529 = arith.muli %scan3A_523, %mul3A_528 : i32
        %get3A_530 = arith.index_cast %mul3A_529 : i32 to index
        %get3A_531 = tpu.vector_load %arg6[%get3A_530] {strides = array<i32>} : memref<160xi32, #tpu.memory_space<vmem>>, vector<16xi32>,
        %add3A_532 = arith.addi %add3A_527, %get3A_531 : vector<16xi32>
        %mul3A_533 = arith.constant 16 : i32
        %mul3A_534 = arith.muli %scan3A_523, %mul3A_533 : i32
        %swap3A_535 = arith.index_cast %mul3A_534 : i32 to index
        %swap3A_536 = tpu.vector_load %arg8[%swap3A_535] {strides = array<i32>} : memref<160xi32, #tpu.memory_space<vmem>>, vector<16xi32>,
        tpu.vector_store %arg8[%swap3A_535], %add3A_532 {strides = array<i32>} : memref<160xi32, #tpu.memory_space<vmem>>, vector<16xi32>,
        tpu.vector_store_idx %arg4[%add3A_532], %broadcast_in_dim3A_3 : memref<20480xf32, #tpu.memory_space<vmem>>[vector<16xi32>], vector<16xf32>,
        %scan3A_537 = arith.constant 6 : i32
        %mul3A_538 = arith.constant 2048 : i32
        %mul3A_539 = arith.muli %scan3A_537, %mul3A_538 : i32
        %add3A_540 = vector.broadcast %mul3A_539 : i32 to vector<16xi32>
        %add3A_541 = arith.addi %mul3A_6, %add3A_540 : vector<16xi32>
        %mul3A_542 = arith.constant 16 : i32
        %mul3A_543 = arith.muli %scan3A_537, %mul3A_542 : i32
        %get3A_544 = arith.index_cast %mul3A_543 : i32 to index
        %get3A_545 = tpu.vector_load %arg6[%get3A_544] {strides = array<i32>} : memref<160xi32, #tpu.memory_space<vmem>>, vector<16xi32>,
        %add3A_546 = arith.addi %add3A_541, %get3A_545 : vector<16xi32>
        %mul3A_547 = arith.constant 16 : i32
        %mul3A_548 = arith.muli %scan3A_537, %mul3A_547 : i32
        %swap3A_549 = arith.index_cast %mul3A_548 : i32 to index
        %swap3A_550 = tpu.vector_load %arg8[%swap3A_549] {strides = array<i32>} : memref<160xi32, #tpu.memory_space<vmem>>, vector<16xi32>,
        tpu.vector_store %arg8[%swap3A_549], %add3A_546 {strides = array<i32>} : memref<160xi32, #tpu.memory_space<vmem>>, vector<16xi32>,
        tpu.vector_store_idx %arg4[%add3A_546], %broadcast_in_dim3A_3 : memref<20480xf32, #tpu.memory_space<vmem>>[vector<16xi32>], vector<16xf32>,
        %scan3A_551 = arith.constant 7 : i32
        %mul3A_552 = arith.constant 2048 : i32
        %mul3A_553 = arith.muli %scan3A_551, %mul3A_552 : i32
        %add3A_554 = vector.broadcast %mul3A_553 : i32 to vector<16xi32>
        %add3A_555 = arith.addi %mul3A_6, %add3A_554 : vector<16xi32>
        %mul3A_556 = arith.constant 16 : i32
        %mul3A_557 = arith.muli %scan3A_551, %mul3A_556 : i32
        %get3A_558 = arith.index_cast %mul3A_557 : i32 to index
        %get3A_559 = tpu.vector_load %arg6[%get3A_558] {strides = array<i32>} : memref<160xi32, #tpu.memory_space<vmem>>, vector<16xi32>,
        %add3A_560 = arith.addi %add3A_555, %get3A_559 : vector<16xi32>
        %mul3A_561 = arith.constant 16 : i32
        %mul3A_562 = arith.muli %scan3A_551, %mul3A_561 : i32
        %swap3A_563 = arith.index_cast %mul3A_562 : i32 to index
        %swap3A_564 = tpu.vector_load %arg8[%swap3A_563] {strides = array<i32>} : memref<160xi32, #tpu.memory_space<vmem>>, vector<16xi32>,
        tpu.vector_store %arg8[%swap3A_563], %add3A_560 {strides = array<i32>} : memref<160xi32, #tpu.memory_space<vmem>>, vector<16xi32>,
        tpu.vector_store_idx %arg4[%add3A_560], %broadcast_in_dim3A_3 : memref<20480xf32, #tpu.memory_space<vmem>>[vector<16xi32>], vector<16xf32>,
        %scan3A_565 = arith.constant 8 : i32
        %mul3A_566 = arith.constant 2048 : i32
        %mul3A_567 = arith.muli %scan3A_565, %mul3A_566 : i32
        %add3A_568 = vector.broadcast %mul3A_567 : i32 to vector<16xi32>
        %add3A_569 = arith.addi %mul3A_6, %add3A_568 : vector<16xi32>
        %mul3A_570 = arith.constant 16 : i32
        %mul3A_571 = arith.muli %scan3A_565, %mul3A_570 : i32
        %get3A_572 = arith.index_cast %mul3A_571 : i32 to index
        %get3A_573 = tpu.vector_load %arg6[%get3A_572] {strides = array<i32>} : memref<160xi32, #tpu.memory_space<vmem>>, vector<16xi32>,
        %add3A_574 = arith.addi %add3A_569, %get3A_573 : vector<16xi32>
        %mul3A_575 = arith.constant 16 : i32
        %mul3A_576 = arith.muli %scan3A_565, %mul3A_575 : i32
        %swap3A_577 = arith.index_cast %mul3A_576 : i32 to index
        %swap3A_578 = tpu.vector_load %arg8[%swap3A_577] {strides = array<i32>} : memref<160xi32, #tpu.memory_space<vmem>>, vector<16xi32>,
        tpu.vector_store %arg8[%swap3A_577], %add3A_574 {strides = array<i32>} : memref<160xi32, #tpu.memory_space<vmem>>, vector<16xi32>,
        tpu.vector_store_idx %arg4[%add3A_574], %broadcast_in_dim3A_3 : memref<20480xf32, #tpu.memory_space<vmem>>[vector<16xi32>], vector<16xf32>,
        %scan3A_579 = arith.constant 9 : i32
        %mul3A_580 = arith.constant 2048 : i32
        %mul3A_581 = arith.muli %scan3A_579, %mul3A_580 : i32
        %add3A_582 = vector.broadcast %mul3A_581 : i32 to vector<16xi32>
        %add3A_583 = arith.addi %mul3A_6, %add3A_582 : vector<16xi32>
        %mul3A_584 = arith.constant 16 : i32
        %mul3A_585 = arith.muli %scan3A_579, %mul3A_584 : i32
        %get3A_586 = arith.index_cast %mul3A_585 : i32 to index
        %get3A_587 = tpu.vector_load %arg6[%get3A_586] {strides = array<i32>} : memref<160xi32, #tpu.memory_space<vmem>>, vector<16xi32>,
        %add3A_588 = arith.addi %add3A_583, %get3A_587 : vector<16xi32>
        %mul3A_589 = arith.constant 16 : i32
        %mul3A_590 = arith.muli %scan3A_579, %mul3A_589 : i32
        %swap3A_591 = arith.index_cast %mul3A_590 : i32 to index
        %swap3A_592 = tpu.vector_load %arg8[%swap3A_591] {strides = array<i32>} : memref<160xi32, #tpu.memory_space<vmem>>, vector<16xi32>,
        tpu.vector_store %arg8[%swap3A_591], %add3A_588 {strides = array<i32>} : memref<160xi32, #tpu.memory_space<vmem>>, vector<16xi32>,
        tpu.vector_store_idx %arg4[%add3A_588], %broadcast_in_dim3A_3 : memref<20480xf32, #tpu.memory_space<vmem>>[vector<16xi32>], vector<16xf32>,
        %scan3A_593 = arith.constant 10 : i32
        %mul3A_594 = arith.constant 32 : i32
        %mul3A_595 = arith.muli %add3A_382, %mul3A_594 : i32
        %add3A_596 = arith.addi %add3A, %mul3A_595 : i32
        %mul3A_597 = arith.constant 20480 : i32
        %mul3A_598 = arith.muli %add3A_596, %mul3A_597 : i32
        %dma_start3A_599 = tpu.memref_slice %arg3[%mul3A_598] : memref<12800000xf32, #tpu.memory_space<hbm>> -> memref<20480xf32, #tpu.memory_space<hbm>>
        %dma_start3A_600 = tpu.memref_slice %arg3[%mul3A_598] : memref<12800000xf32, #tpu.memory_space<hbm>> -> memref<20480xf32, #tpu.memory_space<hbm>>
        tpu.enqueue_dma source(%arg4 : memref<20480xf32, #tpu.memory_space<vmem>>) target(%dma_start3A_600 : memref<20480xf32, #tpu.memory_space<hbm>>) target_semaphore(%arg10 : memref<!tpu.dma_semaphore, #tpu.memory_space<semaphore_mem>>)
        %add3A_601 = arith.constant 2 : i32
        %add3A_602 = arith.addi %add3A_382, %add3A_601 : i32
        %lt3A_603 = arith.cmpi slt, %add3A_602, %select_n3A : i32
        %convert_element_type3A_604 = arith.extui %lt3A_603 : i1 to i32
        %cond3A_605 = arith.constant 0 : i32
        %cond3A_606 = arith.cmpi ne, %convert_element_type3A_604, %cond3A_605 : i32
        scf.if %cond3A_606 {
          %add3A_607 = arith.constant 2 : i32
          %add3A_608 = arith.addi %add3A_382, %add3A_607 : i32
          %mul3A_609 = arith.constant 32 : i32
          %mul3A_610 = arith.muli %add3A_608, %mul3A_609 : i32
          %add3A_611 = arith.addi %add3A, %mul3A_610 : i32
          %mul3A_612 = arith.constant 160 : i32
          %mul3A_613 = arith.muli %add3A_611, %mul3A_612 : i32
          %dma_start3A_614 = tpu.memref_slice %arg2[%mul3A_613] : memref<100000xi32, #tpu.memory_space<hbm>> -> memref<160xi32, #tpu.memory_space<hbm>>
          %dma_start3A_615 = tpu.memref_slice %arg2[%mul3A_613] : memref<100000xi32, #tpu.memory_space<hbm>> -> memref<160xi32, #tpu.memory_space<hbm>>
          tpu.enqueue_dma source(%dma_start3A_615 : memref<160xi32, #tpu.memory_space<hbm>>) target(%arg6 : memref<160xi32, #tpu.memory_space<vmem>>) target_semaphore(%arg12 : memref<!tpu.dma_semaphore, #tpu.memory_space<semaphore_mem>>)
        } else {
        }
      } else {
      }
      %mul3A_384 = arith.constant 2 : i32
      %mul3A_385 = arith.muli %mul3A_384, %scan3A_378 : i32
      %add3A_386 = arith.constant 1 : i32
      %add3A_387 = arith.addi %mul3A_385, %add3A_386 : i32
      %lt3A_388 = arith.cmpi slt, %add3A_387, %select_n3A : i32
      %convert_element_type3A_389 = arith.extui %lt3A_388 : i1 to i32
      %cond3A_390 = arith.constant 0 : i32
      %cond3A_391 = arith.cmpi ne, %convert_element_type3A_389, %cond3A_390 : i32
      scf.if %cond3A_391 {
        %dma_wait3A_392 = arith.constant 0 : i32
        %dma_wait3A_393 = tpu.memref_slice %arg3[%dma_wait3A_392] : memref<12800000xf32, #tpu.memory_space<hbm>> -> memref<20480xf32, #tpu.memory_space<hbm>>
        %dma_wait3A_394 = arith.constant 0 : i32
        %dma_wait3A_395 = tpu.memref_slice %arg3[%dma_wait3A_394] : memref<12800000xf32, #tpu.memory_space<hbm>> -> memref<20480xf32, #tpu.memory_space<hbm>>
        tpu.wait_dma2 semaphore(%arg11 : memref<!tpu.dma_semaphore, #tpu.memory_space<semaphore_mem>>) src(%arg5 : memref<20480xf32, #tpu.memory_space<vmem>>) dst(%dma_wait3A_395 : memref<20480xf32, #tpu.memory_space<hbm>>)
        %scan3A_396 = arith.constant 0 : i32
        %scan3A_397 = arith.constant 0 : i32
        %mul3A_398 = arith.constant 16 : i32
        %mul3A_399 = arith.muli %scan3A_397, %mul3A_398 : i32
        %get3A_400 = arith.index_cast %mul3A_399 : i32 to index
        %get3A_401 = tpu.vector_load %arg9[%get3A_400] {strides = array<i32>} : memref<160xi32, #tpu.memory_space<vmem>>, vector<16xi32>,
        tpu.vector_store_idx %arg5[%get3A_401], %broadcast_in_dim3A_1 : memref<20480xf32, #tpu.memory_space<vmem>>[vector<16xi32>], vector<16xf32>,
        %scan3A_402 = arith.constant 1 : i32
        %mul3A_403 = arith.constant 16 : i32
        %mul3A_404 = arith.muli %scan3A_402, %mul3A_403 : i32
        %get3A_405 = arith.index_cast %mul3A_404 : i32 to index
        %get3A_406 = tpu.vector_load %arg9[%get3A_405] {strides = array<i32>} : memref<160xi32, #tpu.memory_space<vmem>>, vector<16xi32>,
        tpu.vector_store_idx %arg5[%get3A_406], %broadcast_in_dim3A_1 : memref<20480xf32, #tpu.memory_space<vmem>>[vector<16xi32>], vector<16xf32>,
        %scan3A_407 = arith.constant 2 : i32
        %mul3A_408 = arith.constant 16 : i32
        %mul3A_409 = arith.muli %scan3A_407, %mul3A_408 : i32
        %get3A_410 = arith.index_cast %mul3A_409 : i32 to index
        %get3A_411 = tpu.vector_load %arg9[%get3A_410] {strides = array<i32>} : memref<160xi32, #tpu.memory_space<vmem>>, vector<16xi32>,
        tpu.vector_store_idx %arg5[%get3A_411], %broadcast_in_dim3A_1 : memref<20480xf32, #tpu.memory_space<vmem>>[vector<16xi32>], vector<16xf32>,
        %scan3A_412 = arith.constant 3 : i32
        %mul3A_413 = arith.constant 16 : i32
        %mul3A_414 = arith.muli %scan3A_412, %mul3A_413 : i32
        %get3A_415 = arith.index_cast %mul3A_414 : i32 to index
        %get3A_416 = tpu.vector_load %arg9[%get3A_415] {strides = array<i32>} : memref<160xi32, #tpu.memory_space<vmem>>, vector<16xi32>,
        tpu.vector_store_idx %arg5[%get3A_416], %broadcast_in_dim3A_1 : memref<20480xf32, #tpu.memory_space<vmem>>[vector<16xi32>], vector<16xf32>,
        %scan3A_417 = arith.constant 4 : i32
        %mul3A_418 = arith.constant 16 : i32
        %mul3A_419 = arith.muli %scan3A_417, %mul3A_418 : i32
        %get3A_420 = arith.index_cast %mul3A_419 : i32 to index
        %get3A_421 = tpu.vector_load %arg9[%get3A_420] {strides = array<i32>} : memref<160xi32, #tpu.memory_space<vmem>>, vector<16xi32>,
        tpu.vector_store_idx %arg5[%get3A_421], %broadcast_in_dim3A_1 : memref<20480xf32, #tpu.memory_space<vmem>>[vector<16xi32>], vector<16xf32>,
        %scan3A_422 = arith.constant 5 : i32
        %mul3A_423 = arith.constant 16 : i32
        %mul3A_424 = arith.muli %scan3A_422, %mul3A_423 : i32
        %get3A_425 = arith.index_cast %mul3A_424 : i32 to index
        %get3A_426 = tpu.vector_load %arg9[%get3A_425] {strides = array<i32>} : memref<160xi32, #tpu.memory_space<vmem>>, vector<16xi32>,
        tpu.vector_store_idx %arg5[%get3A_426], %broadcast_in_dim3A_1 : memref<20480xf32, #tpu.memory_space<vmem>>[vector<16xi32>], vector<16xf32>,
        %scan3A_427 = arith.constant 6 : i32
        %mul3A_428 = arith.constant 16 : i32
        %mul3A_429 = arith.muli %scan3A_427, %mul3A_428 : i32
        %get3A_430 = arith.index_cast %mul3A_429 : i32 to index
        %get3A_431 = tpu.vector_load %arg9[%get3A_430] {strides = array<i32>} : memref<160xi32, #tpu.memory_space<vmem>>, vector<16xi32>,
        tpu.vector_store_idx %arg5[%get3A_431], %broadcast_in_dim3A_1 : memref<20480xf32, #tpu.memory_space<vmem>>[vector<16xi32>], vector<16xf32>,
        %scan3A_432 = arith.constant 7 : i32
        %mul3A_433 = arith.constant 16 : i32
        %mul3A_434 = arith.muli %scan3A_432, %mul3A_433 : i32
        %get3A_435 = arith.index_cast %mul3A_434 : i32 to index
        %get3A_436 = tpu.vector_load %arg9[%get3A_435] {strides = array<i32>} : memref<160xi32, #tpu.memory_space<vmem>>, vector<16xi32>,
        tpu.vector_store_idx %arg5[%get3A_436], %broadcast_in_dim3A_1 : memref<20480xf32, #tpu.memory_space<vmem>>[vector<16xi32>], vector<16xf32>,
        %scan3A_437 = arith.constant 8 : i32
        %mul3A_438 = arith.constant 16 : i32
        %mul3A_439 = arith.muli %scan3A_437, %mul3A_438 : i32
        %get3A_440 = arith.index_cast %mul3A_439 : i32 to index
        %get3A_441 = tpu.vector_load %arg9[%get3A_440] {strides = array<i32>} : memref<160xi32, #tpu.memory_space<vmem>>, vector<16xi32>,
        tpu.vector_store_idx %arg5[%get3A_441], %broadcast_in_dim3A_1 : memref<20480xf32, #tpu.memory_space<vmem>>[vector<16xi32>], vector<16xf32>,
        %scan3A_442 = arith.constant 9 : i32
        %mul3A_443 = arith.constant 16 : i32
        %mul3A_444 = arith.muli %scan3A_442, %mul3A_443 : i32
        %get3A_445 = arith.index_cast %mul3A_444 : i32 to index
        %get3A_446 = tpu.vector_load %arg9[%get3A_445] {strides = array<i32>} : memref<160xi32, #tpu.memory_space<vmem>>, vector<16xi32>,
        tpu.vector_store_idx %arg5[%get3A_446], %broadcast_in_dim3A_1 : memref<20480xf32, #tpu.memory_space<vmem>>[vector<16xi32>], vector<16xf32>,
        %scan3A_447 = arith.constant 10 : i32
        %dma_wait3A_448 = arith.constant 0 : i32
        %dma_wait3A_449 = tpu.memref_slice %arg2[%dma_wait3A_448] : memref<100000xi32, #tpu.memory_space<hbm>> -> memref<160xi32, #tpu.memory_space<hbm>>
        %dma_wait3A_450 = arith.constant 0 : i32
        %dma_wait3A_451 = tpu.memref_slice %arg2[%dma_wait3A_450] : memref<100000xi32, #tpu.memory_space<hbm>> -> memref<160xi32, #tpu.memory_space<hbm>>
        tpu.wait_dma2 semaphore(%arg13 : memref<!tpu.dma_semaphore, #tpu.memory_space<semaphore_mem>>) src(%dma_wait3A_451 : memref<160xi32, #tpu.memory_space<hbm>>) dst(%arg7 : memref<160xi32, #tpu.memory_space<vmem>>)
        %scan3A_452 = arith.constant 0 : i32
        %scan3A_453 = arith.constant 0 : i32
        %mul3A_454 = arith.constant 2048 : i32
        %mul3A_455 = arith.muli %scan3A_453, %mul3A_454 : i32
        %add3A_456 = vector.broadcast %mul3A_455 : i32 to vector<16xi32>
        %add3A_457 = arith.addi %mul3A_6, %add3A_456 : vector<16xi32>
        %mul3A_458 = arith.constant 16 : i32
        %mul3A_459 = arith.muli %scan3A_453, %mul3A_458 : i32
        %get3A_460 = arith.index_cast %mul3A_459 : i32 to index
        %get3A_461 = tpu.vector_load %arg7[%get3A_460] {strides = array<i32>} : memref<160xi32, #tpu.memory_space<vmem>>, vector<16xi32>,
        %add3A_462 = arith.addi %add3A_457, %get3A_461 : vector<16xi32>
        %mul3A_463 = arith.constant 16 : i32
        %mul3A_464 = arith.muli %scan3A_453, %mul3A_463 : i32
        %swap3A_465 = arith.index_cast %mul3A_464 : i32 to index
        %swap3A_466 = tpu.vector_load %arg9[%swap3A_465] {strides = array<i32>} : memref<160xi32, #tpu.memory_space<vmem>>, vector<16xi32>,
        tpu.vector_store %arg9[%swap3A_465], %add3A_462 {strides = array<i32>} : memref<160xi32, #tpu.memory_space<vmem>>, vector<16xi32>,
        tpu.vector_store_idx %arg5[%add3A_462], %broadcast_in_dim3A_3 : memref<20480xf32, #tpu.memory_space<vmem>>[vector<16xi32>], vector<16xf32>,
        %scan3A_467 = arith.constant 1 : i32
        %mul3A_468 = arith.constant 2048 : i32
        %mul3A_469 = arith.muli %scan3A_467, %mul3A_468 : i32
        %add3A_470 = vector.broadcast %mul3A_469 : i32 to vector<16xi32>
        %add3A_471 = arith.addi %mul3A_6, %add3A_470 : vector<16xi32>
        %mul3A_472 = arith.constant 16 : i32
        %mul3A_473 = arith.muli %scan3A_467, %mul3A_472 : i32
        %get3A_474 = arith.index_cast %mul3A_473 : i32 to index
        %get3A_475 = tpu.vector_load %arg7[%get3A_474] {strides = array<i32>} : memref<160xi32, #tpu.memory_space<vmem>>, vector<16xi32>,
        %add3A_476 = arith.addi %add3A_471, %get3A_475 : vector<16xi32>
        %mul3A_477 = arith.constant 16 : i32
        %mul3A_478 = arith.muli %scan3A_467, %mul3A_477 : i32
        %swap3A_479 = arith.index_cast %mul3A_478 : i32 to index
        %swap3A_480 = tpu.vector_load %arg9[%swap3A_479] {strides = array<i32>} : memref<160xi32, #tpu.memory_space<vmem>>, vector<16xi32>,
        tpu.vector_store %arg9[%swap3A_479], %add3A_476 {strides = array<i32>} : memref<160xi32, #tpu.memory_space<vmem>>, vector<16xi32>,
        tpu.vector_store_idx %arg5[%add3A_476], %broadcast_in_dim3A_3 : memref<20480xf32, #tpu.memory_space<vmem>>[vector<16xi32>], vector<16xf32>,
        %scan3A_481 = arith.constant 2 : i32
        %mul3A_482 = arith.constant 2048 : i32
        %mul3A_483 = arith.muli %scan3A_481, %mul3A_482 : i32
        %add3A_484 = vector.broadcast %mul3A_483 : i32 to vector<16xi32>
        %add3A_485 = arith.addi %mul3A_6, %add3A_484 : vector<16xi32>
        %mul3A_486 = arith.constant 16 : i32
        %mul3A_487 = arith.muli %scan3A_481, %mul3A_486 : i32
        %get3A_488 = arith.index_cast %mul3A_487 : i32 to index
        %get3A_489 = tpu.vector_load %arg7[%get3A_488] {strides = array<i32>} : memref<160xi32, #tpu.memory_space<vmem>>, vector<16xi32>,
        %add3A_490 = arith.addi %add3A_485, %get3A_489 : vector<16xi32>
        %mul3A_491 = arith.constant 16 : i32
        %mul3A_492 = arith.muli %scan3A_481, %mul3A_491 : i32
        %swap3A_493 = arith.index_cast %mul3A_492 : i32 to index
        %swap3A_494 = tpu.vector_load %arg9[%swap3A_493] {strides = array<i32>} : memref<160xi32, #tpu.memory_space<vmem>>, vector<16xi32>,
        tpu.vector_store %arg9[%swap3A_493], %add3A_490 {strides = array<i32>} : memref<160xi32, #tpu.memory_space<vmem>>, vector<16xi32>,
        tpu.vector_store_idx %arg5[%add3A_490], %broadcast_in_dim3A_3 : memref<20480xf32, #tpu.memory_space<vmem>>[vector<16xi32>], vector<16xf32>,
        %scan3A_495 = arith.constant 3 : i32
        %mul3A_496 = arith.constant 2048 : i32
        %mul3A_497 = arith.muli %scan3A_495, %mul3A_496 : i32
        %add3A_498 = vector.broadcast %mul3A_497 : i32 to vector<16xi32>
        %add3A_499 = arith.addi %mul3A_6, %add3A_498 : vector<16xi32>
        %mul3A_500 = arith.constant 16 : i32
        %mul3A_501 = arith.muli %scan3A_495, %mul3A_500 : i32
        %get3A_502 = arith.index_cast %mul3A_501 : i32 to index
        %get3A_503 = tpu.vector_load %arg7[%get3A_502] {strides = array<i32>} : memref<160xi32, #tpu.memory_space<vmem>>, vector<16xi32>,
        %add3A_504 = arith.addi %add3A_499, %get3A_503 : vector<16xi32>
        %mul3A_505 = arith.constant 16 : i32
        %mul3A_506 = arith.muli %scan3A_495, %mul3A_505 : i32
        %swap3A_507 = arith.index_cast %mul3A_506 : i32 to index
        %swap3A_508 = tpu.vector_load %arg9[%swap3A_507] {strides = array<i32>} : memref<160xi32, #tpu.memory_space<vmem>>, vector<16xi32>,
        tpu.vector_store %arg9[%swap3A_507], %add3A_504 {strides = array<i32>} : memref<160xi32, #tpu.memory_space<vmem>>, vector<16xi32>,
        tpu.vector_store_idx %arg5[%add3A_504], %broadcast_in_dim3A_3 : memref<20480xf32, #tpu.memory_space<vmem>>[vector<16xi32>], vector<16xf32>,
        %scan3A_509 = arith.constant 4 : i32
        %mul3A_510 = arith.constant 2048 : i32
        %mul3A_511 = arith.muli %scan3A_509, %mul3A_510 : i32
        %add3A_512 = vector.broadcast %mul3A_511 : i32 to vector<16xi32>
        %add3A_513 = arith.addi %mul3A_6, %add3A_512 : vector<16xi32>
        %mul3A_514 = arith.constant 16 : i32
        %mul3A_515 = arith.muli %scan3A_509, %mul3A_514 : i32
        %get3A_516 = arith.index_cast %mul3A_515 : i32 to index
        %get3A_517 = tpu.vector_load %arg7[%get3A_516] {strides = array<i32>} : memref<160xi32, #tpu.memory_space<vmem>>, vector<16xi32>,
        %add3A_518 = arith.addi %add3A_513, %get3A_517 : vector<16xi32>
        %mul3A_519 = arith.constant 16 : i32
        %mul3A_520 = arith.muli %scan3A_509, %mul3A_519 : i32
        %swap3A_521 = arith.index_cast %mul3A_520 : i32 to index
        %swap3A_522 = tpu.vector_load %arg9[%swap3A_521] {strides = array<i32>} : memref<160xi32, #tpu.memory_space<vmem>>, vector<16xi32>,
        tpu.vector_store %arg9[%swap3A_521], %add3A_518 {strides = array<i32>} : memref<160xi32, #tpu.memory_space<vmem>>, vector<16xi32>,
        tpu.vector_store_idx %arg5[%add3A_518], %broadcast_in_dim3A_3 : memref<20480xf32, #tpu.memory_space<vmem>>[vector<16xi32>], vector<16xf32>,
        %scan3A_523 = arith.constant 5 : i32
        %mul3A_524 = arith.constant 2048 : i32
        %mul3A_525 = arith.muli %scan3A_523, %mul3A_524 : i32
        %add3A_526 = vector.broadcast %mul3A_525 : i32 to vector<16xi32>
        %add3A_527 = arith.addi %mul3A_6, %add3A_526 : vector<16xi32>
        %mul3A_528 = arith.constant 16 : i32
        %mul3A_529 = arith.muli %scan3A_523, %mul3A_528 : i32
        %get3A_530 = arith.index_cast %mul3A_529 : i32 to index
        %get3A_531 = tpu.vector_load %arg7[%get3A_530] {strides = array<i32>} : memref<160xi32, #tpu.memory_space<vmem>>, vector<16xi32>,
        %add3A_532 = arith.addi %add3A_527, %get3A_531 : vector<16xi32>
        %mul3A_533 = arith.constant 16 : i32
        %mul3A_534 = arith.muli %scan3A_523, %mul3A_533 : i32
        %swap3A_535 = arith.index_cast %mul3A_534 : i32 to index
        %swap3A_536 = tpu.vector_load %arg9[%swap3A_535] {strides = array<i32>} : memref<160xi32, #tpu.memory_space<vmem>>, vector<16xi32>,
        tpu.vector_store %arg9[%swap3A_535], %add3A_532 {strides = array<i32>} : memref<160xi32, #tpu.memory_space<vmem>>, vector<16xi32>,
        tpu.vector_store_idx %arg5[%add3A_532], %broadcast_in_dim3A_3 : memref<20480xf32, #tpu.memory_space<vmem>>[vector<16xi32>], vector<16xf32>,
        %scan3A_537 = arith.constant 6 : i32
        %mul3A_538 = arith.constant 2048 : i32
        %mul3A_539 = arith.muli %scan3A_537, %mul3A_538 : i32
        %add3A_540 = vector.broadcast %mul3A_539 : i32 to vector<16xi32>
        %add3A_541 = arith.addi %mul3A_6, %add3A_540 : vector<16xi32>
        %mul3A_542 = arith.constant 16 : i32
        %mul3A_543 = arith.muli %scan3A_537, %mul3A_542 : i32
        %get3A_544 = arith.index_cast %mul3A_543 : i32 to index
        %get3A_545 = tpu.vector_load %arg7[%get3A_544] {strides = array<i32>} : memref<160xi32, #tpu.memory_space<vmem>>, vector<16xi32>,
        %add3A_546 = arith.addi %add3A_541, %get3A_545 : vector<16xi32>
        %mul3A_547 = arith.constant 16 : i32
        %mul3A_548 = arith.muli %scan3A_537, %mul3A_547 : i32
        %swap3A_549 = arith.index_cast %mul3A_548 : i32 to index
        %swap3A_550 = tpu.vector_load %arg9[%swap3A_549] {strides = array<i32>} : memref<160xi32, #tpu.memory_space<vmem>>, vector<16xi32>,
        tpu.vector_store %arg9[%swap3A_549], %add3A_546 {strides = array<i32>} : memref<160xi32, #tpu.memory_space<vmem>>, vector<16xi32>,
        tpu.vector_store_idx %arg5[%add3A_546], %broadcast_in_dim3A_3 : memref<20480xf32, #tpu.memory_space<vmem>>[vector<16xi32>], vector<16xf32>,
        %scan3A_551 = arith.constant 7 : i32
        %mul3A_552 = arith.constant 2048 : i32
        %mul3A_553 = arith.muli %scan3A_551, %mul3A_552 : i32
        %add3A_554 = vector.broadcast %mul3A_553 : i32 to vector<16xi32>
        %add3A_555 = arith.addi %mul3A_6, %add3A_554 : vector<16xi32>
        %mul3A_556 = arith.constant 16 : i32
        %mul3A_557 = arith.muli %scan3A_551, %mul3A_556 : i32
        %get3A_558 = arith.index_cast %mul3A_557 : i32 to index
        %get3A_559 = tpu.vector_load %arg7[%get3A_558] {strides = array<i32>} : memref<160xi32, #tpu.memory_space<vmem>>, vector<16xi32>,
        %add3A_560 = arith.addi %add3A_555, %get3A_559 : vector<16xi32>
        %mul3A_561 = arith.constant 16 : i32
        %mul3A_562 = arith.muli %scan3A_551, %mul3A_561 : i32
        %swap3A_563 = arith.index_cast %mul3A_562 : i32 to index
        %swap3A_564 = tpu.vector_load %arg9[%swap3A_563] {strides = array<i32>} : memref<160xi32, #tpu.memory_space<vmem>>, vector<16xi32>,
        tpu.vector_store %arg9[%swap3A_563], %add3A_560 {strides = array<i32>} : memref<160xi32, #tpu.memory_space<vmem>>, vector<16xi32>,
        tpu.vector_store_idx %arg5[%add3A_560], %broadcast_in_dim3A_3 : memref<20480xf32, #tpu.memory_space<vmem>>[vector<16xi32>], vector<16xf32>,
        %scan3A_565 = arith.constant 8 : i32
        %mul3A_566 = arith.constant 2048 : i32
        %mul3A_567 = arith.muli %scan3A_565, %mul3A_566 : i32
        %add3A_568 = vector.broadcast %mul3A_567 : i32 to vector<16xi32>
        %add3A_569 = arith.addi %mul3A_6, %add3A_568 : vector<16xi32>
        %mul3A_570 = arith.constant 16 : i32
        %mul3A_571 = arith.muli %scan3A_565, %mul3A_570 : i32
        %get3A_572 = arith.index_cast %mul3A_571 : i32 to index
        %get3A_573 = tpu.vector_load %arg7[%get3A_572] {strides = array<i32>} : memref<160xi32, #tpu.memory_space<vmem>>, vector<16xi32>,
        %add3A_574 = arith.addi %add3A_569, %get3A_573 : vector<16xi32>
        %mul3A_575 = arith.constant 16 : i32
        %mul3A_576 = arith.muli %scan3A_565, %mul3A_575 : i32
        %swap3A_577 = arith.index_cast %mul3A_576 : i32 to index
        %swap3A_578 = tpu.vector_load %arg9[%swap3A_577] {strides = array<i32>} : memref<160xi32, #tpu.memory_space<vmem>>, vector<16xi32>,
        tpu.vector_store %arg9[%swap3A_577], %add3A_574 {strides = array<i32>} : memref<160xi32, #tpu.memory_space<vmem>>, vector<16xi32>,
        tpu.vector_store_idx %arg5[%add3A_574], %broadcast_in_dim3A_3 : memref<20480xf32, #tpu.memory_space<vmem>>[vector<16xi32>], vector<16xf32>,
        %scan3A_579 = arith.constant 9 : i32
        %mul3A_580 = arith.constant 2048 : i32
        %mul3A_581 = arith.muli %scan3A_579, %mul3A_580 : i32
        %add3A_582 = vector.broadcast %mul3A_581 : i32 to vector<16xi32>
        %add3A_583 = arith.addi %mul3A_6, %add3A_582 : vector<16xi32>
        %mul3A_584 = arith.constant 16 : i32
        %mul3A_585 = arith.muli %scan3A_579, %mul3A_584 : i32
        %get3A_586 = arith.index_cast %mul3A_585 : i32 to index
        %get3A_587 = tpu.vector_load %arg7[%get3A_586] {strides = array<i32>} : memref<160xi32, #tpu.memory_space<vmem>>, vector<16xi32>,
        %add3A_588 = arith.addi %add3A_583, %get3A_587 : vector<16xi32>
        %mul3A_589 = arith.constant 16 : i32
        %mul3A_590 = arith.muli %scan3A_579, %mul3A_589 : i32
        %swap3A_591 = arith.index_cast %mul3A_590 : i32 to index
        %swap3A_592 = tpu.vector_load %arg9[%swap3A_591] {strides = array<i32>} : memref<160xi32, #tpu.memory_space<vmem>>, vector<16xi32>,
        tpu.vector_store %arg9[%swap3A_591], %add3A_588 {strides = array<i32>} : memref<160xi32, #tpu.memory_space<vmem>>, vector<16xi32>,
        tpu.vector_store_idx %arg5[%add3A_588], %broadcast_in_dim3A_3 : memref<20480xf32, #tpu.memory_space<vmem>>[vector<16xi32>], vector<16xf32>,
        %scan3A_593 = arith.constant 10 : i32
        %mul3A_594 = arith.constant 32 : i32
        %mul3A_595 = arith.muli %add3A_387, %mul3A_594 : i32
        %add3A_596 = arith.addi %add3A, %mul3A_595 : i32
        %mul3A_597 = arith.constant 20480 : i32
        %mul3A_598 = arith.muli %add3A_596, %mul3A_597 : i32
        %dma_start3A_599 = tpu.memref_slice %arg3[%mul3A_598] : memref<12800000xf32, #tpu.memory_space<hbm>> -> memref<20480xf32, #tpu.memory_space<hbm>>
        %dma_start3A_600 = tpu.memref_slice %arg3[%mul3A_598] : memref<12800000xf32, #tpu.memory_space<hbm>> -> memref<20480xf32, #tpu.memory_space<hbm>>
        tpu.enqueue_dma source(%arg5 : memref<20480xf32, #tpu.memory_space<vmem>>) target(%dma_start3A_600 : memref<20480xf32, #tpu.memory_space<hbm>>) target_semaphore(%arg11 : memref<!tpu.dma_semaphore, #tpu.memory_space<semaphore_mem>>)
        %add3A_601 = arith.constant 2 : i32
        %add3A_602 = arith.addi %add3A_387, %add3A_601 : i32
        %lt3A_603 = arith.cmpi slt, %add3A_602, %select_n3A : i32
        %convert_element_type3A_604 = arith.extui %lt3A_603 : i1 to i32
        %cond3A_605 = arith.constant 0 : i32
        %cond3A_606 = arith.cmpi ne, %convert_element_type3A_604, %cond3A_605 : i32
        scf.if %cond3A_606 {
          %add3A_607 = arith.constant 2 : i32
          %add3A_608 = arith.addi %add3A_387, %add3A_607 : i32
          %mul3A_609 = arith.constant 32 : i32
          %mul3A_610 = arith.muli %add3A_608, %mul3A_609 : i32
          %add3A_611 = arith.addi %add3A, %mul3A_610 : i32
          %mul3A_612 = arith.constant 160 : i32
          %mul3A_613 = arith.muli %add3A_611, %mul3A_612 : i32
          %dma_start3A_614 = tpu.memref_slice %arg2[%mul3A_613] : memref<100000xi32, #tpu.memory_space<hbm>> -> memref<160xi32, #tpu.memory_space<hbm>>
          %dma_start3A_615 = tpu.memref_slice %arg2[%mul3A_613] : memref<100000xi32, #tpu.memory_space<hbm>> -> memref<160xi32, #tpu.memory_space<hbm>>
          tpu.enqueue_dma source(%dma_start3A_615 : memref<160xi32, #tpu.memory_space<hbm>>) target(%arg7 : memref<160xi32, #tpu.memory_space<vmem>>) target_semaphore(%arg13 : memref<!tpu.dma_semaphore, #tpu.memory_space<semaphore_mem>>)
        } else {
        }
      } else {
      }
    }
    %scan3A_369 = arith.constant 9 : i32
    %dma_wait3A_370 = arith.constant 0 : i32
    %dma_wait3A_371 = tpu.memref_slice %arg3[%dma_wait3A_370] : memref<12800000xf32, #tpu.memory_space<hbm>> -> memref<20480xf32, #tpu.memory_space<hbm>>
    %dma_wait3A_372 = arith.constant 0 : i32
    %dma_wait3A_373 = tpu.memref_slice %arg3[%dma_wait3A_372] : memref<12800000xf32, #tpu.memory_space<hbm>> -> memref<20480xf32, #tpu.memory_space<hbm>>
    tpu.wait_dma2 semaphore(%arg10 : memref<!tpu.dma_semaphore, #tpu.memory_space<semaphore_mem>>) src(%arg4 : memref<20480xf32, #tpu.memory_space<vmem>>) dst(%dma_wait3A_373 : memref<20480xf32, #tpu.memory_space<hbm>>)
    %dma_wait3A_374 = arith.constant 0 : i32
    %dma_wait3A_375 = tpu.memref_slice %arg3[%dma_wait3A_374] : memref<12800000xf32, #tpu.memory_space<hbm>> -> memref<20480xf32, #tpu.memory_space<hbm>>
    %dma_wait3A_376 = arith.constant 0 : i32
    %dma_wait3A_377 = tpu.memref_slice %arg3[%dma_wait3A_376] : memref<12800000xf32, #tpu.memory_space<hbm>> -> memref<20480xf32, #tpu.memory_space<hbm>>
    tpu.wait_dma2 semaphore(%arg11 : memref<!tpu.dma_semaphore, #tpu.memory_space<semaphore_mem>>) src(%arg5 : memref<20480xf32, #tpu.memory_space<vmem>>) dst(%dma_wait3A_377 : memref<20480xf32, #tpu.memory_space<hbm>>)
    return
  }
}

</mosaic_0001>

<sc_bundles>
// kernel: kernel.3.cloned.1.call-start
scs
__scs_entry_jumppad:
0x0: {  	(pc) =	sbr.rel $0x88, $3  }
0x1: {  	(tag) =	ssettag $0x0;
	lr =	simm.s32 $0x1  }
0x2: {  	[smem:$0x3FA0] =	sst lr;
	_ =	strace $0xD0000000  }
0x3: {  	_ = 	snop  }
0x4: {  	_ = 	snop  }
0x5: {  	_ = 	snop  }
0x6: {  	_ = 	snop  }
0x7: {  	_ = 	snop  }
__scs_overlays_trampoline_lowered:
0x8: {  	[smem:$0x3FAF] =	sst s0  }
0x9: {  	[smem:$0x3FB0] =	sst s1  }
0xa: {  	[smem:$0x3FB1] =	sst s2  }
0xb: {  	[smem:$0x3FB2] =	sst s3  }
0xc: {  	[smem:$0x3FB3] =	sst s4  }
0xd: {  	[smem:$0x3FB4] =	sst s5  }
0xe: {  	[smem:$0x3FB5] =	sst s6  }
0xf: {  	[smem:$0x3FB6] =	sst s7  }
0x10: {  	[smem:$0x3FB7] =	sst s8  }
0x11: {  	[smem:$0x3FB8] =	sst s9;
	s0 =	simm.s32 @!p0 $0x0  }
0x12: {  	s1 =	sld [smem:$0x3F9E];
	s0 =	simm.s32 @p0 $0x1  }
0x13: {  	[smem:$0x3FB9] =	sst s0;
	s0 =	simm.s32 @!p1 $0x0  }
0x14: {  	s2 =	sld [smem:$0x3F9D];
	s0 =	simm.s32 @p1 $0x1  }
0x15: {  	[smem:$0x3FBA] =	sst s0;
	s0 =	simm.s32 @!p2 $0x0  }
0x16: {  	s3 =	sld [smem:$0x3FDB];
	s0 =	simm.s32 @p2 $0x1  }
0x17: {  	s4 =	simm.s32 $0x1BF5;
	[smem:$0x3FBC] =	sst s0  }
0x18: {  	s0 =	sld [smem:$0x3F9F];
	_ =	swait.ge [sflag:s4], $0x0  }
0x19: {  	s7 =	sld [smem:$0x3FA0]  }
0x1a: {  	s8 =	sadd.s32 $0xFFFFE003, lr  }
0x1b: {  	s9 =	sadd.s32 $0xFFFFFEF7, lr;
	s5 =	simm.s32 $0xFFFFFFFF;
	p2 =	slt.u32 s8, $0xFFFFF086  }
0x1c: {  	p1 =	slt.u32 s9, $0xF7A;
	s5 =	simm.s32 @!p2 $0x0  }
0x1d: {  	s5 =	simm.s32 @p1 $0x1;
	p0 =	seq.s32 s7, s2  }
0x1e: {  	s7 =	smul.u32 @!p0 $0xF7A, s2;
	p2 =	seq.s32 @!p0 s5, $0x0  }
0x1f: {  	s9 =	smul.u32 $0xF7A, s1;
	s8 =	simm.s32 @!p0 $0x1BF5;
	p2 =	por !p2, p0  }
0x20: {  	[sflag:s8] =	ssyncset.s32 @!p0 $0xFFFFF086;
	s6 =	sadd.s32 @!p0 s3, s7;
	s7 =	simm.s32 @!p0 $0x108  }
0x21: {  	s3 =	sadd.s32 s3, s9;
	s6 =	sadd.s32 @!p0 $0x88, s6;
	s7 =	simm.s32 @p2 $0x1082  }
0x22: {  	[simem:s7], [sflag:s8] =	dma.local @!p0 [hbm:s6], $0xF7A  }
0x23: {  	s9 =	sor.u32 $0xD0000000, s2;
	s6 =	simm.s32 $0x108;
	_ =	swait.ge @!p0 [sflag:s8], $0x0  }
0x24: {  	s3 =	sadd.s32 $0x88, s3;
	s6 =	simm.s32 @!p1 $0x1082;
	[sflag:s4] =	ssyncset.s32 $0xFFFFF086  }
0x25: {  	[simem:s6], [sflag:s4] =	dma.local [hbm:s3], $0xF7A  }
0x26: {  	[smem:$0x3FA0] =	sst s1;
	(tag) =	ssettag s2;
	_ =	strace s9  }
0x27: {  	s1 =	sld [smem:$0x3FB0]  }
0x28: {  	s2 =	sld [smem:$0x3FB1]  }
0x29: {  	s4 =	sld [smem:$0x3FB3]  }
0x2a: {  	p0 =	seq.s32 s5, $0x0;
	s5 =	sld [smem:$0x3FB4]  }
0x2b: {  	s6 =	sld [smem:$0x3FB5]  }
0x2c: {  	s7 =	sld [smem:$0x3FB6]  }
0x2d: {  	s3 =	simm.s32 $0x108;
	s8 =	sld [smem:$0x3FB7]  }
0x2e: {  	s3 =	simm.s32 @!p0 $0x1082;
	s9 =	sld [smem:$0x3FB8]  }
0x2f: {  	lr =	sadd.s32 s0, s3;
	s0 =	sld [smem:$0x3FAF]  }
0x30: {  	s3 =	sld [smem:$0x3FB2]  }
0x31: {  	[smem:$0x3FBB] =	sst s10  }
0x32: {  	s10 =	sld [smem:$0x3FB9];
	_ =	sdelay $0x3  }
0x33: {  	p0 =	seq.s32 s10, $0x1;
	s10 =	sld [smem:$0x3FBB];
	_ =	sdelay $0x3  }
0x34: {  	[smem:$0x3FBB] =	sst s10  }
0x35: {  	s10 =	sld [smem:$0x3FBA];
	_ =	sdelay $0x3  }
0x36: {  	p1 =	seq.s32 s10, $0x1;
	s10 =	sld [smem:$0x3FBB];
	_ =	sdelay $0x3  }
0x37: {  	[smem:$0x3FBB] =	sst s10  }
0x38: {  	s10 =	sld [smem:$0x3FBC]  }
0x39: {  	_ = 	snop;
	(pc) =	sbr.ind lr, $3  }
0x3a: {  	_ = 	snop  }
0x3b: {  	_ = 	snop  }
0x3c: {  	p2 =	seq.s32 s10, $0x1;
	s10 =	sld [smem:$0x3FBB]  }
0x3d: {  	_ =	shalt  }
0x3e: {  	_ =	shalt  }
0x3f: {  	_ =	shalt  }
0x40: {  	_ =	shalt  }
0x41: {  	_ =	shalt  }
0x42: {  	_ =	shalt  }
0x43: {  	_ =	shalt  }
0x44: {  	_ =	shalt  }
0x45: {  	_ =	shalt  }
0x46: {  	_ =	shalt  }
0x47: {  	_ =	shalt  }
0x48: {  	_ =	shalt  }
0x49: {  	_ =	shalt  }
0x4a: {  	_ =	shalt  }
0x4b: {  	_ =	shalt  }
0x4c: {  	_ =	shalt  }
0x4d: {  	_ =	shalt  }
0x4e: {  	_ =	shalt  }
0x4f: {  	_ =	shalt  }
0x50: {  	_ =	shalt  }
0x51: {  	_ =	shalt  }
0x52: {  	_ =	shalt  }
0x53: {  	_ =	shalt  }
0x54: {  	_ =	shalt  }
0x55: {  	_ =	shalt  }
0x56: {  	_ =	shalt  }
0x57: {  	_ =	shalt  }
0x58: {  	_ =	shalt  }
0x59: {  	_ =	shalt  }
0x5a: {  	_ =	shalt  }
0x5b: {  	_ =	shalt  }
0x5c: {  	_ =	shalt  }
0x5d: {  	_ =	shalt  }
0x5e: {  	_ =	shalt  }
0x5f: {  	_ =	shalt  }
0x60: {  	_ =	shalt  }
0x61: {  	_ =	shalt  }
0x62: {  	_ =	shalt  }
0x63: {  	_ =	shalt  }
0x64: {  	_ =	shalt  }
0x65: {  	_ =	shalt  }
0x66: {  	_ =	shalt  }
0x67: {  	_ =	shalt  }
0x68: {  	_ =	shalt  }
0x69: {  	_ =	shalt  }
0x6a: {  	_ =	shalt  }
0x6b: {  	_ =	shalt  }
0x6c: {  	_ =	shalt  }
0x6d: {  	_ =	shalt  }
0x6e: {  	_ =	shalt  }
0x6f: {  	_ =	shalt  }
0x70: {  	_ =	shalt  }
0x71: {  	_ =	shalt  }
0x72: {  	_ =	shalt  }
0x73: {  	_ =	shalt  }
0x74: {  	_ =	shalt  }
0x75: {  	_ =	shalt  }
0x76: {  	_ =	shalt  }
0x77: {  	_ =	shalt  }
0x78: {  	_ =	shalt  }
0x79: {  	_ =	shalt  }
0x7a: {  	_ =	shalt  }
0x7b: {  	_ =	shalt  }
0x7c: {  	_ =	shalt  }
0x7d: {  	_ =	shalt  }
0x7e: {  	_ =	shalt  }
0x7f: {  	_ =	shalt  }
0x80: {  	_ =	shalt  }
0x81: {  	_ =	shalt  }
0x82: {  	_ =	shalt  }
0x83: {  	_ =	shalt  }
0x84: {  	_ =	shalt  }
0x85: {  	_ =	shalt  }
0x86: {  	_ =	shalt  }
0x87: {  	_ =	shalt  }
.Lfunc_end0:
.L_simem_size_0:
called_computation_lowered:
.L_overlay_start_0:
0x88: {  	s2 =	sld [smem:$0x3FD9]  }
0x89: {  	s3 =	sld [smem:$0x3FFE];
	_ =	sdelay $0x1  }
0x8a: {  	s1 =	srdreg.scid  }
0x8b: {  	s0 =	sand.u32 $0x1, s1  }
0x8c: {  	s18 =	sshll.u32 s0, $0xA;
	s2 =	sadd.s32 s3, s2  }
0x8d: {  	s2 =	sadd.s32 s2, s18  }
0x8e: {  	[smem:$0x3FC7] =	sst s2  }
0x8f: {  	_ = 	snop  }
0x90: {  	s2 =	sld [smem:$0x3FC9]  }
0x91: {  	s19 =	sld [smem:$0x3FD0];
	(tm) =	ssettm $0x1  }
0x92: {  	s4 =	sld [smem:$0x3FFB];
	_ =	sdelay $0x3  }
0x93: {  	_ =	strace s4  }
0x94: {  	s4 =	sld [smem:$0x3FFC];
	_ =	sdelay $0x3  }
0x95: {  	_ =	strace s4  }
0x96: {  	s4 =	sld [smem:$0x3FFD];
	_ =	sdelay $0x3  }
0x97: {  	_ =	strace s4  }
0x98: {  	_ =	strace $0x8FFFFFFF  }
0x99: {  	s20 =	sld [smem:$0x3FDB];
	_ =	sdelay $0x1  }
0x9a: {  	s5 =	simm.s32 $_scs_section_size  }
0x9b: {  	s6 =	simm.s32 $_size__tile_overlayer_lowered;
	s7 =	simm.s32 $_tile_overlayer_lowered  }
0x9c: {  	s23 =	simm.s32 $0x1BFF;
	s22 =	sshll.u32 s7, $0x1;
	s4 =	sadd.s32 s5, s20  }
0x9d: {  	s8 =	simm.s32 $0x0;
	s21 =	sshll.u32 s6, $0x1;
	s6 =	sadd.s32 s22, s4  }
0x9e: {  	[timem:s8], [sflag:s23] =	dma.local [hbm:s6], s21  }
0x9f: {  	_ =	swait.ge [sflag:s23], s21  }
0xa0: {  	s5 =	ssub.s32 $0x0, s21;
	[sflag:s23] =	ssyncset.done $0x0  }
0xa1: {  	[sflag:s23] =	ssyncadd.s32 s5;
	_ =	sdelay $0x1  }
0xa2: {  	s24 =	simm.s32 $0x1B8B  }
0xa3: {  	_ =	swait.ge [sflag:s24], $0x1  }
0xa4: {  	[sflag:s24] =	ssyncset.done $0x0  }
0xa5: {  	s25 =	simm.s32 $0x1B8E;
	[sflag:s24] =	ssyncadd.s32 $0xFFFFFFFF  }
0xa6: {  	s26 =	simm.s32 $execute0_lowered;
	[smem:$0x3FD2] =	sst s25  }
0xa7: {  	s5 =	sshll.u32 s26, $0x1;
	_ =	strace $0x80000046;
	[dreg:$0x1] =	wrdreg $0xFFFFFFFF  }
0xa8: {  	s28 =	simm.s32 $_size_execute0_lowered;
	s4 =	sadd.s32 s4, s5;
	[dreg:$0x0] =	wrdreg $0x0  }
0xa9: {  	s5 =	sshll.u32 s28, $0x1;
	[dreg:$0x2] =	wrdreg s4  }
0xaa: {  	[dreg:$0x3] =	wrdreg s5  }
0xab: {  	[dreg:$0x4] =	wrdreg $0xC0  }
0xac: {  	_ =	task [dreg:s8], $0x5FFFF  }
0xad: {  	[dreg:$0x1] =	wrdreg $0xFFFFFFFF  }
0xae: {  	[dreg:$0x0] =	wrdreg $0x60  }
0xaf: {  	[dreg:$0x2] =	wrdreg s2  }
0xb0: {  	[dreg:$0x3] =	wrdreg s19  }
0xb1: {  	[dreg:$0x4] =	wrdreg $0x9  }
0xb2: {  	_ =	task.clear_ibuf [dreg:s8], $0x5FFFF;
	_ =	strace $0x90000046  }
0xb3: {  	s29 =	simm.s32 $0x9;
	_ =	strace $0x80000048  }
0xb4: {  	_ =	swait.ge [sflag:s29], $0x1  }
0xb5: {  	[sflag:s29] =	ssyncadd.s32 $0xFFFFFFFF  }
0xb6: {  	_ =	strace $0x90000048  }
0xb7: {  	_ =	sfence  }
0xb8: {  	s30 =	sld [smem:$0x0];
	_ =	sdelay $0x2  }
0xb9: {  	s31 =	sshll.u32 s1, $0xD;
	s1 =	sshrl.u32 s1, $0x2  }
0xba: {  	s3 =	sand.u32 $0x4000, s31;
	s1 =	sadd.s32 s1, s30  }
0xbb: {  	s0 =	sor.u32 s3, s0;
	s1 =	sshll.u32 s1, $0x11  }
0xbc: {  	s0 =	sor.u32 s1, s0  }
0xbd: {  	s0 =	sadd.s32 $0x8F2B, s0  }
0xbe: {  	[sflag:s0] =	ssyncadd.remote.s32 $0x1  }
0xbf: {  	_ =	sfence.sel $0xFFFF  }
0xc0: {  	[dreg:$0x0] =	wrdreg $0xFFFFFFFF;
	(pc) =	sbr.abs _section_cstart, $3  }
0xc1: {  	[dreg:$0x1] =	wrdreg $0xFFFFFFFF  }
0xc2: {  	_ =	task.clear_ibuf [dreg:s8], $0x2FFFF;
	_ =	strace $0x9FFFFFFF  }
0xc3: {  	(tm) =	ssettm $0x7FFFFFFF  }
tec
execute0_lowered:
.L_overlay_start_1:
0x0: {  	(tag) =	ssettag $0x1  }
0x1: {  	s10 =	rddreg [dreg:$0x0];
	s1 =	srdreg.scid  }
0x2: {  	s0 =	stileid.u32;
	s9 =	rddreg [dreg:$0x1];
	s18 =	simm.s32 $0x1  }
0x3: {  	s19 =	simm.s32 $0x2;
	s20 =	simm.s32 $0x0;
	s25 =	smul.u32 $0x1400, s0  }
0x4: {  	s11 =	sand.u32 $0x1, s1;
	s2 =	sshll.u32 s0, $0x1;
	s17 =	smul.u32 $0x28, s0  }
0x5: {  	s1 =	rddreg [dreg:$0x2];
	s3 =	sor.u32 s11, s2;
	s16 =	smul.u32 $0xA00, s11  }
0x6: {  	s2 =	simm.s32 $0x0;
	s7 =	ssub.s32 $0x2, s11;
	s28 =	smul.u32 $0x14, s11  }
0x7: {  	s4 =	smul.u32 $0x14, s3;
	s5 =	sor.u32 $0x20, s3;
	[smem:$0x7FF] =	sst s2  }
0x8: {  	s8 =	smul.u32 $0xA00, s3;
	s12 =	sshrl.u32 s7, $0x1;
	s13 =	ssub.s32 $0x290, s3  }
0x9: {  	s14 =	smul.u32 $0xA0, s3;
	s26 =	sadd.s32 s25, s9;
	s30 =	sadd.s32 s17, s10  }
0xa: {  	s17 =	simm.s32 $0x5000;
	s6 =	smul.u32 $0x14, s5;
	_ =	strace $0x80000047  }
0xb: {  	s12 =	ssub.s32 s7, s12;
	s3 =	sshrl.u32 s13, $0x5;
	s23 =	smul.u32 $0xA00, s5  }
0xc: {  	v0 =	vlaneseq.u32;
	s29 =	sadd.s32 s16, s26;
	s31 =	sadd.s32 s28, s30;
	s13 =	simm.s32 $0xA000  }
.Ltmp0:
0xd: {  	v0 =	vmul.u32 $0x80, v0;
	s16 =	simm.s32 $0x4;
	s4 =	sadd.s32 s10, s4;
	(pc) =	sbr.rel .LBB2_1-.Ltmp0, $4  }
0xe: {  	v1 =	vimm.f32 $0.0e+00;
	v2 =	vimm.f32 $1.000000000e+00;
	s24 =	sshrl.u32 s14, $0x3;
	s11 =	sadd.s32 $0x28000, s29;
	s14 =	simm.s32 $0xA100  }
0xf: {  	v3 =	vor.u32 $0x800, v0;
	v4 =	vor.u32 $0x1000, v0;
	v5 =	vor.u32 $0x1800, v0;
	s5 =	sadd.s32 s10, s6;
	s15 =	sadd.s32 s10, s24;
	s6 =	sadd.s32 s9, s8  }
0x10: {  	v6 =	vor.u32 $0x2000, v0;
	v7 =	vor.u32 $0x2800, v0;
	v8 =	vor.u32 $0x3000, v0;
	s8 =	sadd.s32 s9, s23;
	s10 =	smax.u32 s12, $0x1;
	s12 =	sadd.s32 $0xA00, s31  }
0x11: {  	v9 =	vor.u32 $0x3800, v0;
	v10 =	vor.u32 $0x4000, v0;
	v11 =	vor.u32 $0x4800, v0;
	s7 =	sadd.s32 $0x500, s15;
	s9 =	sadd.s32 $0x780, s15;
	s15 =	simm.s32 $0x3  }
.LBB2_9:
0x12: {  	s20 =	sadd.s32 $0x1, s20  }
0x13: {  	_ =	swait.ge [sflag:s18], $0x5000;
	p0 =	sne.s32 s20, s10  }
.Ltmp1:
0x14: {  	[sflag:s18] =	ssyncset.done $0x0;
	(pc) =	sbr.rel @!p0 .LBB2_10-.Ltmp1, $4  }
0x15: {  	[sflag:s18] =	ssyncadd.s32 $0xFFFFB000  }
0x16: {  	_ =	swait.ge [sflag:s19], $0x5000  }
0x17: {  	[sflag:s19] =	ssyncset.done $0x0  }
0x18: {  	[sflag:s19] =	ssyncadd.s32 $0xFFFFB000  }
.LBB2_1:
0x19: {  	[tilespmem:s13], [sflag:$0x3] =	stream.linear.gather [hbm4b:s4+s2], $0xA0, $0x38;
	[tilespmem:$0xA400] =	vst v63  }
0x1a: {  	s21 =	simm.s32 $0x80  }
0x1b: {  	[tilespmem:s14], [sflag:$0x4] =	stream.linear.gather [hbm4b:s5+s2], $0xA0, $0x38;
	[tilespmem:$0xA400] =	vst v63  }
0x1c: {  	[tilespmem:s21+$0xFFFFFF80] =	vst v1  }
0x1d: {  	[tilespmem:s21+$0x70] =	vst v1  }
0x1e: {  	[tilespmem:s21+$0x60] =	vst v1  }
0x1f: {  	[tilespmem:s21+$0x50] =	vst v1  }
0x20: {  	[tilespmem:s21+$0x40] =	vst v1  }
0x21: {  	[tilespmem:s21+$0x30] =	vst v1  }
0x22: {  	[tilespmem:s21+$0x20] =	vst v1  }
0x23: {  	[tilespmem:s21+$0x10] =	vst v1  }
0x24: {  	[tilespmem:s21+$0x0] =	vst v1  }
0x25: {  	[tilespmem:s21+$0xFFFFFFF0] =	vst v1  }
0x26: {  	[tilespmem:s21+$0xFFFFFFE0] =	vst v1  }
0x27: {  	[tilespmem:s21+$0xFFFFFFD0] =	vst v1  }
0x28: {  	[tilespmem:s21+$0xFFFFFFC0] =	vst v1  }
0x29: {  	[tilespmem:s21+$0xFFFFFFB0] =	vst v1  }
0x2a: {  	s22 =	simm.s32 $0x0;
	[tilespmem:s21+$0xFFFFFFA0] =	vst v1  }
.LBB2_2:
0x2b: {  	s22 =	sadd.s32 $0x10, s22;
	[tilespmem:s21+$0xFFFFFF90] =	vst v1;
	s21 =	sadd.s32 $0x100, s21  }
0x2c: {  	[tilespmem:s21+$0xFFFFFF80] =	vst v1;
	p0 =	slt.u32 s22, $0x4F0  }
0x2d: {  	[tilespmem:s21+$0x70] =	vst v1  }
0x2e: {  	[tilespmem:s21+$0x60] =	vst v1  }
0x2f: {  	[tilespmem:s21+$0x50] =	vst v1  }
0x30: {  	[tilespmem:s21+$0x40] =	vst v1  }
0x31: {  	[tilespmem:s21+$0x30] =	vst v1  }
0x32: {  	[tilespmem:s21+$0x20] =	vst v1  }
0x33: {  	[tilespmem:s21+$0x10] =	vst v1  }
0x34: {  	[tilespmem:s21+$0x0] =	vst v1  }
0x35: {  	[tilespmem:s21+$0xFFFFFFF0] =	vst v1  }
.Ltmp2:
0x36: {  	[tilespmem:s21+$0xFFFFFFE0] =	vst v1;
	(pc) =	sbr.rel @p0 .LBB2_2-.Ltmp2, $4  }
0x37: {  	[tilespmem:s21+$0xFFFFFFD0] =	vst v1  }
0x38: {  	[tilespmem:s21+$0xFFFFFFC0] =	vst v1  }
0x39: {  	[tilespmem:s21+$0xFFFFFFB0] =	vst v1  }
0x3a: {  	[tilespmem:s21+$0xFFFFFFA0] =	vst v1  }
0x3b: {  	[tilespmem:s21+$0xFFFFFF90] =	vst v1  }
0x3c: {  	_ =	swait.ge [sflag:s15], $0xA0  }
0x3d: {  	[sflag:s15] =	ssyncset.done $0x0  }
0x3e: {  	[sflag:s15] =	ssyncadd.s32 $0xFFFFFF60  }
0x3f: {  	v12 =	vld [tilespmem:$0xA000];
	_ =	sdelay $0x4  }
0x40: {  	v12 =	vadd.s32 v0, v12;
	_ =	sdelay $0x3  }
0x41: {  	[tilespmem:$0xA200] =	vst v12  }
0x42: {  	[tilespmem:v12+s2+$0x0] =	vst.idx.msk $0xffff, v2  }
0x43: {  	v12 =	vld [tilespmem:$0xA010];
	_ =	sdelay $0x4  }
0x44: {  	v12 =	vadd.s32 v3, v12;
	_ =	sdelay $0x3  }
0x45: {  	[tilespmem:$0xA210] =	vst v12  }
0x46: {  	[tilespmem:v12+s2+$0x0] =	vst.idx.msk $0xffff, v2  }
0x47: {  	v12 =	vld [tilespmem:$0xA020];
	_ =	sdelay $0x4  }
0x48: {  	v12 =	vadd.s32 v4, v12;
	_ =	sdelay $0x3  }
0x49: {  	[tilespmem:$0xA220] =	vst v12  }
0x4a: {  	[tilespmem:v12+s2+$0x0] =	vst.idx.msk $0xffff, v2  }
0x4b: {  	v12 =	vld [tilespmem:$0xA030];
	_ =	sdelay $0x4  }
0x4c: {  	v12 =	vadd.s32 v5, v12;
	_ =	sdelay $0x3  }
0x4d: {  	[tilespmem:$0xA230] =	vst v12  }
0x4e: {  	[tilespmem:v12+s2+$0x0] =	vst.idx.msk $0xffff, v2  }
0x4f: {  	v12 =	vld [tilespmem:$0xA040];
	_ =	sdelay $0x4  }
0x50: {  	v12 =	vadd.s32 v6, v12;
	_ =	sdelay $0x3  }
0x51: {  	[tilespmem:$0xA240] =	vst v12  }
0x52: {  	[tilespmem:v12+s2+$0x0] =	vst.idx.msk $0xffff, v2  }
0x53: {  	v12 =	vld [tilespmem:$0xA050];
	_ =	sdelay $0x4  }
0x54: {  	v12 =	vadd.s32 v7, v12;
	_ =	sdelay $0x3  }
0x55: {  	[tilespmem:$0xA250] =	vst v12  }
0x56: {  	[tilespmem:v12+s2+$0x0] =	vst.idx.msk $0xffff, v2  }
0x57: {  	v12 =	vld [tilespmem:$0xA060];
	_ =	sdelay $0x4  }
0x58: {  	v12 =	vadd.s32 v8, v12;
	_ =	sdelay $0x3  }
0x59: {  	[tilespmem:$0xA260] =	vst v12  }
0x5a: {  	[tilespmem:v12+s2+$0x0] =	vst.idx.msk $0xffff, v2  }
0x5b: {  	v12 =	vld [tilespmem:$0xA070];
	_ =	sdelay $0x4  }
0x5c: {  	v12 =	vadd.s32 v9, v12;
	_ =	sdelay $0x3  }
0x5d: {  	[tilespmem:$0xA270] =	vst v12  }
0x5e: {  	[tilespmem:v12+s2+$0x0] =	vst.idx.msk $0xffff, v2  }
0x5f: {  	v12 =	vld [tilespmem:$0xA080];
	_ =	sdelay $0x4  }
0x60: {  	v12 =	vadd.s32 v10, v12;
	_ =	sdelay $0x3  }
0x61: {  	[tilespmem:$0xA280] =	vst v12  }
0x62: {  	[tilespmem:v12+s2+$0x0] =	vst.idx.msk $0xffff, v2  }
0x63: {  	v12 =	vld [tilespmem:$0xA090];
	_ =	sdelay $0x4  }
0x64: {  	v12 =	vadd.s32 v11, v12;
	_ =	sdelay $0x3  }
0x65: {  	[tilespmem:$0xA290] =	vst v12  }
0x66: {  	[tilespmem:v12+s2+$0x0] =	vst.idx.msk $0xffff, v2  }
0x67: {  	[hbm4b:s6+s2] =	stream.linear.scatter [tilespmem:s2], [sflag:$0x1], $0x5000, $0x38;
	[tilespmem:$0xA400] =	vst v63  }
0x68: {  	s21 =	simm.s32 $0x5080  }
0x69: {  	[tilespmem:s13], [sflag:$0x3] =	stream.linear.gather [hbm4b:s7+s2], $0xA0, $0x38;
	[tilespmem:$0xA400] =	vst v63  }
0x6a: {  	[tilespmem:s21+$0xFFFFFF80] =	vst v1  }
0x6b: {  	[tilespmem:s21+$0x70] =	vst v1  }
0x6c: {  	[tilespmem:s21+$0x60] =	vst v1  }
0x6d: {  	[tilespmem:s21+$0x50] =	vst v1  }
0x6e: {  	[tilespmem:s21+$0x40] =	vst v1  }
0x6f: {  	[tilespmem:s21+$0x30] =	vst v1  }
0x70: {  	[tilespmem:s21+$0x20] =	vst v1  }
0x71: {  	[tilespmem:s21+$0x10] =	vst v1  }
0x72: {  	[tilespmem:s21+$0x0] =	vst v1  }
0x73: {  	[tilespmem:s21+$0xFFFFFFF0] =	vst v1  }
0x74: {  	[tilespmem:s21+$0xFFFFFFE0] =	vst v1  }
0x75: {  	[tilespmem:s21+$0xFFFFFFD0] =	vst v1  }
0x76: {  	[tilespmem:s21+$0xFFFFFFC0] =	vst v1  }
0x77: {  	[tilespmem:s21+$0xFFFFFFB0] =	vst v1  }
0x78: {  	s22 =	simm.s32 $0x0;
	[tilespmem:s21+$0xFFFFFFA0] =	vst v1  }
.LBB2_4:
0x79: {  	s22 =	sadd.s32 $0x10, s22;
	[tilespmem:s21+$0xFFFFFF90] =	vst v1;
	s21 =	sadd.s32 $0x100, s21  }
0x7a: {  	[tilespmem:s21+$0xFFFFFF80] =	vst v1;
	p0 =	slt.u32 s22, $0x4F0  }
0x7b: {  	[tilespmem:s21+$0x70] =	vst v1  }
0x7c: {  	[tilespmem:s21+$0x60] =	vst v1  }
0x7d: {  	[tilespmem:s21+$0x50] =	vst v1  }
0x7e: {  	[tilespmem:s21+$0x40] =	vst v1  }
0x7f: {  	[tilespmem:s21+$0x30] =	vst v1  }
0x80: {  	[tilespmem:s21+$0x20] =	vst v1  }
0x81: {  	[tilespmem:s21+$0x10] =	vst v1  }
0x82: {  	[tilespmem:s21+$0x0] =	vst v1  }
0x83: {  	[tilespmem:s21+$0xFFFFFFF0] =	vst v1  }
.Ltmp3:
0x84: {  	[tilespmem:s21+$0xFFFFFFE0] =	vst v1;
	(pc) =	sbr.rel @p0 .LBB2_4-.Ltmp3, $4  }
0x85: {  	[tilespmem:s21+$0xFFFFFFD0] =	vst v1  }
0x86: {  	[tilespmem:s21+$0xFFFFFFC0] =	vst v1  }
0x87: {  	[tilespmem:s21+$0xFFFFFFB0] =	vst v1  }
0x88: {  	[tilespmem:s21+$0xFFFFFFA0] =	vst v1  }
0x89: {  	[tilespmem:s21+$0xFFFFFF90] =	vst v1  }
0x8a: {  	_ =	swait.ge [sflag:s16], $0xA0  }
0x8b: {  	[sflag:s16] =	ssyncset.done $0x0  }
0x8c: {  	[sflag:s16] =	ssyncadd.s32 $0xFFFFFF60  }
0x8d: {  	v12 =	vld [tilespmem:$0xA100];
	_ =	sdelay $0x4  }
0x8e: {  	v12 =	vadd.s32 v0, v12;
	_ =	sdelay $0x3  }
0x8f: {  	[tilespmem:$0xA300] =	vst v12  }
0x90: {  	[tilespmem:v12+s17+$0x0] =	vst.idx.msk $0xffff, v2  }
0x91: {  	v12 =	vld [tilespmem:$0xA110];
	_ =	sdelay $0x4  }
0x92: {  	v12 =	vadd.s32 v3, v12;
	_ =	sdelay $0x3  }
0x93: {  	[tilespmem:$0xA310] =	vst v12  }
0x94: {  	[tilespmem:v12+s17+$0x0] =	vst.idx.msk $0xffff, v2  }
0x95: {  	v12 =	vld [tilespmem:$0xA120];
	_ =	sdelay $0x4  }
0x96: {  	v12 =	vadd.s32 v4, v12;
	_ =	sdelay $0x3  }
0x97: {  	[tilespmem:$0xA320] =	vst v12  }
0x98: {  	[tilespmem:v12+s17+$0x0] =	vst.idx.msk $0xffff, v2  }
0x99: {  	v12 =	vld [tilespmem:$0xA130];
	_ =	sdelay $0x4  }
0x9a: {  	v12 =	vadd.s32 v5, v12;
	_ =	sdelay $0x3  }
0x9b: {  	[tilespmem:$0xA330] =	vst v12  }
0x9c: {  	[tilespmem:v12+s17+$0x0] =	vst.idx.msk $0xffff, v2  }
0x9d: {  	v12 =	vld [tilespmem:$0xA140];
	_ =	sdelay $0x4  }
0x9e: {  	v12 =	vadd.s32 v6, v12;
	_ =	sdelay $0x3  }
0x9f: {  	[tilespmem:$0xA340] =	vst v12  }
0xa0: {  	[tilespmem:v12+s17+$0x0] =	vst.idx.msk $0xffff, v2  }
0xa1: {  	v12 =	vld [tilespmem:$0xA150];
	_ =	sdelay $0x4  }
0xa2: {  	v12 =	vadd.s32 v7, v12;
	_ =	sdelay $0x3  }
0xa3: {  	[tilespmem:$0xA350] =	vst v12  }
0xa4: {  	[tilespmem:v12+s17+$0x0] =	vst.idx.msk $0xffff, v2  }
0xa5: {  	v12 =	vld [tilespmem:$0xA160];
	_ =	sdelay $0x4  }
0xa6: {  	v12 =	vadd.s32 v8, v12;
	_ =	sdelay $0x3  }
0xa7: {  	[tilespmem:$0xA360] =	vst v12  }
0xa8: {  	[tilespmem:v12+s17+$0x0] =	vst.idx.msk $0xffff, v2  }
0xa9: {  	v12 =	vld [tilespmem:$0xA170];
	_ =	sdelay $0x4  }
0xaa: {  	v12 =	vadd.s32 v9, v12;
	_ =	sdelay $0x3  }
0xab: {  	[tilespmem:$0xA370] =	vst v12  }
0xac: {  	[tilespmem:v12+s17+$0x0] =	vst.idx.msk $0xffff, v2  }
0xad: {  	v12 =	vld [tilespmem:$0xA180];
	_ =	sdelay $0x4  }
0xae: {  	v12 =	vadd.s32 v10, v12;
	_ =	sdelay $0x3  }
0xaf: {  	[tilespmem:$0xA380] =	vst v12  }
0xb0: {  	[tilespmem:v12+s17+$0x0] =	vst.idx.msk $0xffff, v2  }
0xb1: {  	v12 =	vld [tilespmem:$0xA190];
	_ =	sdelay $0x4  }
0xb2: {  	v12 =	vadd.s32 v11, v12;
	_ =	sdelay $0x3  }
.Ltmp4:
0xb3: {  	[tilespmem:$0xA390] =	vst v12;
	(pc) =	sbr.rel .LBB2_6-.Ltmp4, $4  }
0xb4: {  	[tilespmem:v12+s17+$0x0] =	vst.idx.msk $0xffff, v2  }
0xb5: {  	[hbm4b:s8+s2] =	stream.linear.scatter [tilespmem:s17], [sflag:$0x2], $0x5000, $0x38;
	[tilespmem:$0xA400] =	vst v63  }
0xb6: {  	s21 =	simm.s32 $0x5;
	s22 =	smov.u32 s12;
	s23 =	smov.u32 s11  }
0xb7: {  	[tilespmem:s14], [sflag:$0x4] =	stream.linear.gather [hbm4b:s9+s2], $0xA0, $0x38;
	[tilespmem:$0xA400] =	vst v63  }
.LBB2_8:
0xb8: {  	s21 =	sadd.s32 $0x2, s21  }
0xb9: {  	p0 =	sne.s32 s21, $0x17  }
.Ltmp5:
0xba: {  	_ = 	snop;
	(pc) =	sbr.rel @!p0 .LBB2_9-.Ltmp5, $2  }
0xbb: {  	_ =	sdelay $0x2  }
0xbc: {  	s23 =	sadd.s32 $0x28000, s23;
	s22 =	sadd.s32 $0x500, s22  }
.LBB2_6:
0xbd: {  	_ =	swait.ge [sflag:s18], $0x5000  }
0xbe: {  	[sflag:s18] =	ssyncset.done $0x0  }
0xbf: {  	[sflag:s18] =	ssyncadd.s32 $0xFFFFB000  }
0xc0: {  	v12 =	vld [tilespmem:$0xA200];
	_ =	sdelay $0x7  }
0xc1: {  	[tilespmem:v12+s2+$0x0] =	vst.idx.msk $0xffff, v1  }
0xc2: {  	v12 =	vld [tilespmem:$0xA210];
	_ =	sdelay $0x7  }
0xc3: {  	[tilespmem:v12+s2+$0x0] =	vst.idx.msk $0xffff, v1  }
0xc4: {  	v12 =	vld [tilespmem:$0xA220];
	_ =	sdelay $0x7  }
0xc5: {  	[tilespmem:v12+s2+$0x0] =	vst.idx.msk $0xffff, v1  }
0xc6: {  	v12 =	vld [tilespmem:$0xA230];
	_ =	sdelay $0x7  }
0xc7: {  	[tilespmem:v12+s2+$0x0] =	vst.idx.msk $0xffff, v1  }
0xc8: {  	v12 =	vld [tilespmem:$0xA240];
	_ =	sdelay $0x7  }
0xc9: {  	[tilespmem:v12+s2+$0x0] =	vst.idx.msk $0xffff, v1  }
0xca: {  	v12 =	vld [tilespmem:$0xA250];
	_ =	sdelay $0x7  }
0xcb: {  	[tilespmem:v12+s2+$0x0] =	vst.idx.msk $0xffff, v1  }
0xcc: {  	v12 =	vld [tilespmem:$0xA260];
	_ =	sdelay $0x7  }
0xcd: {  	[tilespmem:v12+s2+$0x0] =	vst.idx.msk $0xffff, v1  }
0xce: {  	v12 =	vld [tilespmem:$0xA270];
	_ =	sdelay $0x7  }
0xcf: {  	[tilespmem:v12+s2+$0x0] =	vst.idx.msk $0xffff, v1  }
0xd0: {  	v12 =	vld [tilespmem:$0xA280];
	_ =	sdelay $0x7  }
0xd1: {  	[tilespmem:v12+s2+$0x0] =	vst.idx.msk $0xffff, v1  }
0xd2: {  	v12 =	vld [tilespmem:$0xA290];
	_ =	sdelay $0x7  }
0xd3: {  	[tilespmem:v12+s2+$0x0] =	vst.idx.msk $0xffff, v1  }
0xd4: {  	_ =	swait.ge [sflag:s15], $0xA0  }
0xd5: {  	[sflag:s15] =	ssyncset.done $0x0  }
0xd6: {  	[sflag:s15] =	ssyncadd.s32 $0xFFFFFF60  }
0xd7: {  	v63 =	vld [tilespmem:$0xA000];
	_ =	sdelay $0x4  }
0xd8: {  	v12 =	vadd.s32 v0, v63;
	_ =	sdelay $0x3  }
0xd9: {  	[tilespmem:$0xA200] =	vst v12  }
0xda: {  	[tilespmem:v12+s2+$0x0] =	vst.idx.msk $0xffff, v2  }
0xdb: {  	v12 =	vld [tilespmem:$0xA010];
	_ =	sdelay $0x4  }
0xdc: {  	v12 =	vadd.s32 v3, v12;
	_ =	sdelay $0x3  }
0xdd: {  	[tilespmem:$0xA210] =	vst v12  }
0xde: {  	[tilespmem:v12+s2+$0x0] =	vst.idx.msk $0xffff, v2  }
0xdf: {  	v12 =	vld [tilespmem:$0xA020];
	_ =	sdelay $0x4  }
0xe0: {  	v12 =	vadd.s32 v4, v12;
	_ =	sdelay $0x3  }
0xe1: {  	[tilespmem:$0xA220] =	vst v12  }
0xe2: {  	[tilespmem:v12+s2+$0x0] =	vst.idx.msk $0xffff, v2  }
0xe3: {  	v12 =	vld [tilespmem:$0xA030];
	_ =	sdelay $0x4  }
0xe4: {  	v12 =	vadd.s32 v5, v12;
	_ =	sdelay $0x3  }
0xe5: {  	[tilespmem:$0xA230] =	vst v12  }
0xe6: {  	[tilespmem:v12+s2+$0x0] =	vst.idx.msk $0xffff, v2  }
0xe7: {  	v12 =	vld [tilespmem:$0xA040];
	_ =	sdelay $0x4  }
0xe8: {  	v12 =	vadd.s32 v6, v12;
	_ =	sdelay $0x3  }
0xe9: {  	[tilespmem:$0xA240] =	vst v12  }
0xea: {  	[tilespmem:v12+s2+$0x0] =	vst.idx.msk $0xffff, v2  }
0xeb: {  	v12 =	vld [tilespmem:$0xA050];
	_ =	sdelay $0x4  }
0xec: {  	v12 =	vadd.s32 v7, v12;
	_ =	sdelay $0x3  }
0xed: {  	[tilespmem:$0xA250] =	vst v12  }
0xee: {  	[tilespmem:v12+s2+$0x0] =	vst.idx.msk $0xffff, v2  }
0xef: {  	v12 =	vld [tilespmem:$0xA060];
	_ =	sdelay $0x4  }
0xf0: {  	v12 =	vadd.s32 v8, v12;
	_ =	sdelay $0x3  }
0xf1: {  	[tilespmem:$0xA260] =	vst v12  }
0xf2: {  	[tilespmem:v12+s2+$0x0] =	vst.idx.msk $0xffff, v2  }
0xf3: {  	v12 =	vld [tilespmem:$0xA070];
	_ =	sdelay $0x4  }
0xf4: {  	v12 =	vadd.s32 v9, v12;
	_ =	sdelay $0x3  }
0xf5: {  	[tilespmem:$0xA270] =	vst v12  }
0xf6: {  	[tilespmem:v12+s2+$0x0] =	vst.idx.msk $0xffff, v2  }
0xf7: {  	v12 =	vld [tilespmem:$0xA080];
	_ =	sdelay $0x4  }
0xf8: {  	v12 =	vadd.s32 v10, v12;
	_ =	sdelay $0x3  }
0xf9: {  	[tilespmem:$0xA280] =	vst v12  }
0xfa: {  	[tilespmem:v12+s2+$0x0] =	vst.idx.msk $0xffff, v2  }
0xfb: {  	v12 =	vld [tilespmem:$0xA090];
	_ =	sdelay $0x4  }
0xfc: {  	v12 =	vadd.s32 v11, v12;
	_ =	sdelay $0x3  }
0xfd: {  	s24 =	sadd.s32 $0xFFFFFFFF, s21;
	[tilespmem:$0xA290] =	vst v12  }
0xfe: {  	p0 =	sge.u32 s24, s3;
	[tilespmem:v12+s2+$0x0] =	vst.idx.msk $0xffff, v2  }
0xff: {  	[hbm4b:s23+s2] =	stream.linear.scatter [tilespmem:s2], [sflag:$0x1], $0x5000, $0x38;
	[tilespmem:$0xA400] =	vst v63  }
0x100: {  	s31 =	sadd.s32 $0xFFFFFFFE, s21;
	s24 =	simm.s32 @!p0 $0x0;
	s25 =	simm.s32 @!p0 $0xA000  }
0x101: {  	[tilespmem:s25], [sflag:$0x3] =	stream.linear.gather @!p0 [hbm4b:s22+s24], $0xA0, $0x38;
	[tilespmem:$0xA400] =	vst v63  }
0x102: {  	p0 =	sge.u32 s31, s3  }
.Ltmp6:
0x103: {  	_ = 	snop;
	(pc) =	sbr.rel @p0 .LBB2_8-.Ltmp6, $1  }
0x104: {  	_ =	sdelay $0x3  }
0x105: {  	_ =	swait.ge [sflag:s19], $0x5000  }
0x106: {  	[sflag:s19] =	ssyncset.done $0x0  }
0x107: {  	[sflag:s19] =	ssyncadd.s32 $0xFFFFB000  }
0x108: {  	v12 =	vld [tilespmem:$0xA300];
	_ =	sdelay $0x7  }
0x109: {  	[tilespmem:v12+s17+$0x0] =	vst.idx.msk $0xffff, v1  }
0x10a: {  	v12 =	vld [tilespmem:$0xA310];
	_ =	sdelay $0x7  }
0x10b: {  	[tilespmem:v12+s17+$0x0] =	vst.idx.msk $0xffff, v1  }
0x10c: {  	v12 =	vld [tilespmem:$0xA320];
	_ =	sdelay $0x7  }
0x10d: {  	[tilespmem:v12+s17+$0x0] =	vst.idx.msk $0xffff, v1  }
0x10e: {  	v12 =	vld [tilespmem:$0xA330];
	_ =	sdelay $0x7  }
0x10f: {  	[tilespmem:v12+s17+$0x0] =	vst.idx.msk $0xffff, v1  }
0x110: {  	v12 =	vld [tilespmem:$0xA340];
	_ =	sdelay $0x7  }
0x111: {  	[tilespmem:v12+s17+$0x0] =	vst.idx.msk $0xffff, v1  }
0x112: {  	v12 =	vld [tilespmem:$0xA350];
	_ =	sdelay $0x7  }
0x113: {  	[tilespmem:v12+s17+$0x0] =	vst.idx.msk $0xffff, v1  }
0x114: {  	v12 =	vld [tilespmem:$0xA360];
	_ =	sdelay $0x7  }
0x115: {  	[tilespmem:v12+s17+$0x0] =	vst.idx.msk $0xffff, v1  }
0x116: {  	v12 =	vld [tilespmem:$0xA370];
	_ =	sdelay $0x7  }
0x117: {  	[tilespmem:v12+s17+$0x0] =	vst.idx.msk $0xffff, v1  }
0x118: {  	v12 =	vld [tilespmem:$0xA380];
	_ =	sdelay $0x7  }
0x119: {  	[tilespmem:v12+s17+$0x0] =	vst.idx.msk $0xffff, v1  }
0x11a: {  	v12 =	vld [tilespmem:$0xA390];
	_ =	sdelay $0x7  }
0x11b: {  	[tilespmem:v12+s17+$0x0] =	vst.idx.msk $0xffff, v1  }
0x11c: {  	_ =	swait.ge [sflag:s16], $0xA0  }
0x11d: {  	[sflag:s16] =	ssyncset.done $0x0  }
0x11e: {  	[sflag:s16] =	ssyncadd.s32 $0xFFFFFF60  }
0x11f: {  	v63 =	vld [tilespmem:$0xA100];
	_ =	sdelay $0x4  }
0x120: {  	v12 =	vadd.s32 v0, v63;
	_ =	sdelay $0x3  }
0x121: {  	[tilespmem:$0xA300] =	vst v12  }
0x122: {  	[tilespmem:v12+s17+$0x0] =	vst.idx.msk $0xffff, v2  }
0x123: {  	v12 =	vld [tilespmem:$0xA110];
	_ =	sdelay $0x4  }
0x124: {  	v12 =	vadd.s32 v3, v12;
	_ =	sdelay $0x3  }
0x125: {  	[tilespmem:$0xA310] =	vst v12  }
0x126: {  	[tilespmem:v12+s17+$0x0] =	vst.idx.msk $0xffff, v2  }
0x127: {  	v12 =	vld [tilespmem:$0xA120];
	_ =	sdelay $0x4  }
0x128: {  	v12 =	vadd.s32 v4, v12;
	_ =	sdelay $0x3  }
0x129: {  	[tilespmem:$0xA320] =	vst v12  }
0x12a: {  	[tilespmem:v12+s17+$0x0] =	vst.idx.msk $0xffff, v2  }
0x12b: {  	v12 =	vld [tilespmem:$0xA130];
	_ =	sdelay $0x4  }
0x12c: {  	v12 =	vadd.s32 v5, v12;
	_ =	sdelay $0x3  }
0x12d: {  	[tilespmem:$0xA330] =	vst v12  }
0x12e: {  	[tilespmem:v12+s17+$0x0] =	vst.idx.msk $0xffff, v2  }
0x12f: {  	v12 =	vld [tilespmem:$0xA140];
	_ =	sdelay $0x4  }
0x130: {  	v12 =	vadd.s32 v6, v12;
	_ =	sdelay $0x3  }
0x131: {  	[tilespmem:$0xA340] =	vst v12  }
0x132: {  	[tilespmem:v12+s17+$0x0] =	vst.idx.msk $0xffff, v2  }
0x133: {  	v12 =	vld [tilespmem:$0xA150];
	_ =	sdelay $0x4  }
0x134: {  	v12 =	vadd.s32 v7, v12;
	_ =	sdelay $0x3  }
0x135: {  	[tilespmem:$0xA350] =	vst v12  }
0x136: {  	[tilespmem:v12+s17+$0x0] =	vst.idx.msk $0xffff, v2  }
0x137: {  	v12 =	vld [tilespmem:$0xA160];
	_ =	sdelay $0x4  }
0x138: {  	v12 =	vadd.s32 v8, v12;
	_ =	sdelay $0x3  }
0x139: {  	[tilespmem:$0xA360] =	vst v12  }
0x13a: {  	[tilespmem:v12+s17+$0x0] =	vst.idx.msk $0xffff, v2  }
0x13b: {  	v12 =	vld [tilespmem:$0xA170];
	_ =	sdelay $0x4  }
0x13c: {  	v12 =	vadd.s32 v9, v12;
	_ =	sdelay $0x3  }
0x13d: {  	[tilespmem:$0xA370] =	vst v12  }
0x13e: {  	[tilespmem:v12+s17+$0x0] =	vst.idx.msk $0xffff, v2  }
0x13f: {  	v12 =	vld [tilespmem:$0xA180];
	_ =	sdelay $0x4  }
0x140: {  	v12 =	vadd.s32 v10, v12;
	_ =	sdelay $0x3  }
0x141: {  	[tilespmem:$0xA380] =	vst v12  }
0x142: {  	[tilespmem:v12+s17+$0x0] =	vst.idx.msk $0xffff, v2  }
0x143: {  	v12 =	vld [tilespmem:$0xA190];
	_ =	sdelay $0x4  }
0x144: {  	v12 =	vadd.s32 v11, v12;
	_ =	sdelay $0x3  }
.Ltmp7:
0x145: {  	[tilespmem:$0xA390] =	vst v12;
	(pc) =	sbr.rel .LBB2_8-.Ltmp7, $4  }
0x146: {  	s24 =	sadd.s32 $0x14000, s23;
	p0 =	sge.u32 s21, s3;
	[tilespmem:v12+s17+$0x0] =	vst.idx.msk $0xffff, v2  }
0x147: {  	[hbm4b:s24+s2] =	stream.linear.scatter [tilespmem:s17], [sflag:$0x2], $0x5000, $0x38;
	[tilespmem:$0xA400] =	vst v63  }
0x148: {  	s25 =	simm.s32 @!p0 $0x0;
	s26 =	simm.s32 @!p0 $0xA100;
	s24 =	sadd.s32 @!p0 $0x280, s22  }
0x149: {  	[tilespmem:s26], [sflag:$0x4] =	stream.linear.gather @!p0 [hbm4b:s24+s25], $0xA0, $0x38;
	[tilespmem:$0xA400] =	vst v63  }
.LBB2_10:
0x14a: {  	_ =	sfence.sel $0x180000  }
0x14b: {  	[bflag:$0x0] =	sbarrier.arrive $0xFFFF  }
0x14c: {  	p0 =	sne.s32 s0, $0x0;
	_ =	strace $0x90000047  }
0x14d: {  	s0 =	sadd.s32 @!p0 $0x100000, s1;
	[bflag:$0x2] =	sbarrier.arrive $0xFFFF  }
0x14e: {  	[sflag:s0] =	ssyncadd.tile.s32 @!p0 $0x1;
	_ =	shalt  }
.Lfunc_end2:
_tile_overlayer_lowered:
.L_overlay_start_2:
0x14f: {  	(tag) =	ssettag $0x2  }
0x150: {  	s0 =	rddreg [dreg:$0x0];
	s2 =	stileid.u32  }
0x151: {  	s1 =	rddreg [dreg:$0x1];
	p0 =	sne.s32 s2, $0x0  }
0x152: {  	s3 =	rddreg [dreg:$0x2];
	[bflag:$0x3] =	sbarrier.arrive $0xFFFF;
	s2 =	simm.s32 @!p0 $0x1C05  }
0x153: {  	[timem:s3], [sflag:s2] =	dma.local @!p0 [hbm:s0], s1  }
0x154: {  	s0 =	simm.s32 @!p0 $0x5  }
0x155: {  	_ =	swait.ge @!p0 [sflag:s0], s1  }
0x156: {  	s1 =	ssub.s32 @!p0 $0x0, s1;
	[sflag:s0] =	ssyncset.done @!p0 $0x0  }
0x157: {  	[sflag:s0] =	ssyncadd.s32 @!p0 s1  }
0x158: {  	[bflag:$0x3] =	sbarrier.arrive $0xFFFF  }
0x159: {  	_ =	shalt  }

</sc_bundles>
